<compile_context>
chip_gen: v7x
topology: tpu7x:2x2x1
jax: 0.10.2.dev20260603
libtpu: 0.0.44.dev20260713+nightly
codegen_flags: <defaults>
</compile_context>

<pallas_src>
import functools

import jax
import jax.numpy as jnp
from jax import lax
from jax.experimental import pallas as pl
from jax.experimental.pallas import tpu as pltpu
from jax.experimental.pallas import tpu_sc as plsc

EMBED = 32
LANES = 16
IDX_CHUNK = 128


@functools.lru_cache(maxsize=None)
def _make_sc_kernel(batch, embed):
    info = plsc.get_sparse_core_info()
    num_cores, num_subcores = info.num_cores, info.num_subcores
    num_workers = num_cores * num_subcores
    bpw = batch // num_workers
    n_chunks = bpw // IDX_CHUNK
    n_groups = bpw // LANES

    mesh = plsc.VectorSubcoreMesh(core_axis_name="c", subcore_axis_name="s")

    @functools.partial(
        pl.kernel,
        mesh=mesh,
        out_type=jax.ShapeDtypeStruct((batch,), jnp.float32),
        compiler_params=pltpu.CompilerParams(
            needs_layout_passes=False, use_tc_tiling_on_sc=False),
        scratch_types=[
            pltpu.VMEM((n_chunks, IDX_CHUNK), jnp.int32),
            pltpu.VMEM((n_chunks, IDX_CHUNK), jnp.int32),
            pltpu.VMEM((bpw, embed), jnp.float32),
            pltpu.VMEM((bpw, embed), jnp.float32),
            pltpu.VMEM((LANES,), jnp.float32),
            pltpu.VMEM((LANES,), jnp.float32),
            pltpu.VMEM((bpw,), jnp.float32),
            pltpu.SemaphoreType.DMA,
        ],
    )
    def sc_kernel(uidx_hbm, aidx_hbm, utab_hbm, atab_hbm, w_hbm, b_hbm,
                  out_hbm, uidx_v, aidx_v, urows_v, arows_v, w_v, b_v,
                  out_v, sem):
        wid = lax.axis_index("s") * num_cores + lax.axis_index("c")
        pltpu.sync_copy(uidx_hbm.at[wid], uidx_v)
        pltpu.sync_copy(aidx_hbm.at[wid], aidx_v)
        pltpu.sync_copy(w_hbm, w_v)
        pltpu.sync_copy(b_hbm, b_v)

        copies = []
        for j in range(n_chunks):
            rows = pl.ds(j * IDX_CHUNK, IDX_CHUNK)
            copies.append(
                pltpu.async_copy(utab_hbm.at[uidx_v.at[j]], urows_v.at[rows], sem))
            copies.append(
                pltpu.async_copy(atab_hbm.at[aidx_v.at[j]], arows_v.at[rows], sem))
        for c in copies:
            c.wait()

        wv = w_v[...]
        bv = b_v[...]
        iota = lax.iota(jnp.int32, LANES)

        def body(g, carry):
            row = g * LANES + iota
            acc = jnp.zeros((LANES,), jnp.float32)
            for e in range(embed):
                ev = jnp.full((LANES,), e, jnp.int32)
                uu = plsc.load_gather(urows_v, [row, ev])
                aa = plsc.load_gather(arows_v, [row, ev])
                acc = acc + uu * aa
            s = 1.0 / (1.0 + jnp.exp(-acc))
            y = wv * s + bv
            o = 1.0 / (1.0 + jnp.exp(-y))
            out_v[pl.ds(g * LANES, LANES)] = o
            return carry

        lax.fori_loop(0, n_groups, body, 0)
        pltpu.sync_copy(out_v, out_hbm.at[pl.ds(wid * bpw, bpw)])

    return sc_kernel


def kernel(user_input, anime_input, user_table, anime_table, dense_w, dense_b):
    batch = user_input.shape[0]
    embed = user_table.shape[1]
    info = plsc.get_sparse_core_info()
    num_workers = info.num_cores * info.num_subcores
    n_chunks = batch // num_workers // IDX_CHUNK

    uidx = user_input.astype(jnp.int32).reshape(num_workers, n_chunks, IDX_CHUNK)
    aidx = anime_input.astype(jnp.int32).reshape(num_workers, n_chunks, IDX_CHUNK)
    w_splat = jnp.full((LANES,), dense_w.reshape(())[()], dtype=jnp.float32)
    b_splat = jnp.full((LANES,), dense_b.reshape(())[()], dtype=jnp.float32)

    sc = _make_sc_kernel(batch, embed)
    out = sc(uidx, aidx, user_table, anime_table, w_splat, b_splat)
    return out.reshape(batch, 1)

# --- scband reference (transcript-rebuilt; emitter-appended) ---
"""Pipeline reference for scband-collaborative-filtering-model-11072425689109 (READ-ONLY COPY).

The authoritative reference and input builder live on the scoring server;
editing this copy changes nothing except your own understanding.
"""

import jax, jax.numpy as jnp
import numpy as np

NUM_USERS = 1000000
NUM_ANIMES = 100000
EMBED = 32
BATCH = 16384

def setup_inputs(seed: int = 0) -> dict:
    key = jax.random.key(seed)
    k1, k2, k3, k4, k5, k6 = jax.random.split(key, 6)
    user_input = jax.random.randint(k1, (BATCH,), 0, NUM_USERS, dtype=jnp.int64 if jax.config.jax_enable_x64 else jnp.int32)
    anime_input = jax.random.randint(k2, (BATCH,), 0, NUM_ANIMES, dtype=jnp.int64 if jax.config.jax_enable_x64 else jnp.int32)
    user_table = jax.random.normal(k3, (NUM_USERS, EMBED), dtype=jnp.float32)
    anime_table = jax.random.normal(k4, (NUM_ANIMES, EMBED), dtype=jnp.float32)
    dense_w = jax.random.normal(k5, (1, 1), dtype=jnp.float32)
    dense_b = jax.random.normal(k6, (1,), dtype=jnp.float32)
    return {"user_input": user_input, "anime_input": anime_input,
            "user_table": user_table, "anime_table": anime_table,
            "dense_w": dense_w, "dense_b": dense_b}

def reference(user_input, anime_input, user_table, anime_table, dense_w, dense_b):
    user_embedded = jnp.take(user_table, user_input, axis=0)        # [B, E]
    anime_embedded = jnp.take(anime_table, anime_input, axis=0)     # [B, E]
    dot_product = jnp.sum(user_embedded * anime_embedded, axis=-1)  # [B]
    flattened = dot_product[:, None]                                # [B, 1] (Flatten keeps [B,1])
    activated = jax.nn.sigmoid(flattened)
    dense_output = activated @ dense_w.T + dense_b                  # Linear(1,1)
    output = jax.nn.sigmoid(dense_output)
    return output

if __name__ == "__main__":
    import jax
    _d = setup_inputs()
    print(jax.jit(kernel)(*tuple(_d.values())))

</pallas_src>

<mosaic_0001>
#map = affine_map<(d0, d1) -> (0, 0, 0)>
#map1 = affine_map<(d0, d1) -> (0, 0)>
#map2 = affine_map<(d0, d1) -> (0)>
module attributes {stable_mosaic.version = 14 : i64} {
  func.func @sc_kernel(%arg0: i32, %arg1: i32, %arg2: memref<32x4x128xi32, #tpu.memory_space<hbm>>, %arg3: memref<32x4x128xi32, #tpu.memory_space<hbm>>, %arg4: memref<1000000x32xf32, #tpu.memory_space<hbm>>, %arg5: memref<100000x32xf32, #tpu.memory_space<hbm>>, %arg6: memref<16xf32, #tpu.memory_space<hbm>>, %arg7: memref<16xf32, #tpu.memory_space<hbm>>, %arg8: memref<16384xf32, #tpu.memory_space<hbm>>, %arg9: memref<4x128xi32, #tpu.memory_space<vmem>>, %arg10: memref<4x128xi32, #tpu.memory_space<vmem>>, %arg11: memref<512x32xf32, #tpu.memory_space<vmem>>, %arg12: memref<512x32xf32, #tpu.memory_space<vmem>>, %arg13: memref<16xf32, #tpu.memory_space<vmem>>, %arg14: memref<16xf32, #tpu.memory_space<vmem>>, %arg15: memref<512xf32, #tpu.memory_space<vmem>>, %arg16: memref<!tpu.dma_semaphore, #tpu.memory_space<semaphore_mem>>) attributes {dimension_semantics = [#tpu.dimension_semantics<core_parallel>, #tpu.dimension_semantics<subcore_parallel>], iteration_bounds = array<i64: 2, 16>, scalar_prefetch = 0 : i64, scratch_operands = 8 : i64, tpu.core_type = #tpu.core_type<sc_vector_subcore>, window_params = [{transform_indices = #map}, {transform_indices = #map}, {transform_indices = #map1}, {transform_indices = #map1}, {transform_indices = #map2}, {transform_indices = #map2}, {transform_indices = #map2}]} {
    %mul3A = arith.constant 2 : i32
    %mul3A_0 = arith.muli %arg1, %mul3A : i32
    %add3A = arith.addi %mul3A_0, %arg0 : i32
    "tpu.region"() ({
      %run_scoped3A = tpu.sem_alloc : memref<!tpu.dma_semaphore, #tpu.memory_space<semaphore_mem>>
      %dma_start3A_169 = arith.constant 0 : i32
      %dma_start3A_170 = arith.constant 0 : i32
      %dma_start3A_171 = tpu.memref_slice %arg2[%add3A, %dma_start3A_169, %dma_start3A_170] : memref<32x4x128xi32, #tpu.memory_space<hbm>> -> memref<1x4x128xi32, #tpu.memory_space<hbm>>
      %dma_start3A_172 = tpu.memref_squeeze %dma_start3A_171 : memref<1x4x128xi32, #tpu.memory_space<hbm>> -> memref<4x128xi32, #tpu.memory_space<hbm>>
      %dma_start3A_173 = arith.constant 0 : i32
      %dma_start3A_174 = arith.constant 0 : i32
      %dma_start3A_175 = tpu.memref_slice %arg2[%add3A, %dma_start3A_173, %dma_start3A_174] : memref<32x4x128xi32, #tpu.memory_space<hbm>> -> memref<1x4x128xi32, #tpu.memory_space<hbm>>
      %dma_start3A_176 = tpu.memref_squeeze %dma_start3A_175 : memref<1x4x128xi32, #tpu.memory_space<hbm>> -> memref<4x128xi32, #tpu.memory_space<hbm>>
      tpu.enqueue_dma source(%dma_start3A_176 : memref<4x128xi32, #tpu.memory_space<hbm>>) target(%arg9 : memref<4x128xi32, #tpu.memory_space<vmem>>) target_semaphore(%run_scoped3A : memref<!tpu.dma_semaphore, #tpu.memory_space<semaphore_mem>>)
      %dma_wait3A_177 = arith.constant 0 : i32
      %dma_wait3A_178 = arith.constant 0 : i32
      %dma_wait3A_179 = tpu.memref_slice %arg2[%add3A, %dma_wait3A_177, %dma_wait3A_178] : memref<32x4x128xi32, #tpu.memory_space<hbm>> -> memref<1x4x128xi32, #tpu.memory_space<hbm>>
      %dma_wait3A_180 = tpu.memref_squeeze %dma_wait3A_179 : memref<1x4x128xi32, #tpu.memory_space<hbm>> -> memref<4x128xi32, #tpu.memory_space<hbm>>
      %dma_wait3A_181 = arith.constant 0 : i32
      %dma_wait3A_182 = arith.constant 0 : i32
      %dma_wait3A_183 = tpu.memref_slice %arg2[%add3A, %dma_wait3A_181, %dma_wait3A_182] : memref<32x4x128xi32, #tpu.memory_space<hbm>> -> memref<1x4x128xi32, #tpu.memory_space<hbm>>
      %dma_wait3A_184 = tpu.memref_squeeze %dma_wait3A_183 : memref<1x4x128xi32, #tpu.memory_space<hbm>> -> memref<4x128xi32, #tpu.memory_space<hbm>>
      tpu.wait_dma2 semaphore(%run_scoped3A : memref<!tpu.dma_semaphore, #tpu.memory_space<semaphore_mem>>) src(%dma_wait3A_184 : memref<4x128xi32, #tpu.memory_space<hbm>>) dst(%arg9 : memref<4x128xi32, #tpu.memory_space<vmem>>)
      tpu.yield
    }) : () -> ()
    "tpu.region"() ({
      %run_scoped3A = tpu.sem_alloc : memref<!tpu.dma_semaphore, #tpu.memory_space<semaphore_mem>>
      %dma_start3A_169 = arith.constant 0 : i32
      %dma_start3A_170 = arith.constant 0 : i32
      %dma_start3A_171 = tpu.memref_slice %arg3[%add3A, %dma_start3A_169, %dma_start3A_170] : memref<32x4x128xi32, #tpu.memory_space<hbm>> -> memref<1x4x128xi32, #tpu.memory_space<hbm>>
      %dma_start3A_172 = tpu.memref_squeeze %dma_start3A_171 : memref<1x4x128xi32, #tpu.memory_space<hbm>> -> memref<4x128xi32, #tpu.memory_space<hbm>>
      %dma_start3A_173 = arith.constant 0 : i32
      %dma_start3A_174 = arith.constant 0 : i32
      %dma_start3A_175 = tpu.memref_slice %arg3[%add3A, %dma_start3A_173, %dma_start3A_174] : memref<32x4x128xi32, #tpu.memory_space<hbm>> -> memref<1x4x128xi32, #tpu.memory_space<hbm>>
      %dma_start3A_176 = tpu.memref_squeeze %dma_start3A_175 : memref<1x4x128xi32, #tpu.memory_space<hbm>> -> memref<4x128xi32, #tpu.memory_space<hbm>>
      tpu.enqueue_dma source(%dma_start3A_176 : memref<4x128xi32, #tpu.memory_space<hbm>>) target(%arg10 : memref<4x128xi32, #tpu.memory_space<vmem>>) target_semaphore(%run_scoped3A : memref<!tpu.dma_semaphore, #tpu.memory_space<semaphore_mem>>)
      %dma_wait3A_177 = arith.constant 0 : i32
      %dma_wait3A_178 = arith.constant 0 : i32
      %dma_wait3A_179 = tpu.memref_slice %arg3[%add3A, %dma_wait3A_177, %dma_wait3A_178] : memref<32x4x128xi32, #tpu.memory_space<hbm>> -> memref<1x4x128xi32, #tpu.memory_space<hbm>>
      %dma_wait3A_180 = tpu.memref_squeeze %dma_wait3A_179 : memref<1x4x128xi32, #tpu.memory_space<hbm>> -> memref<4x128xi32, #tpu.memory_space<hbm>>
      %dma_wait3A_181 = arith.constant 0 : i32
      %dma_wait3A_182 = arith.constant 0 : i32
      %dma_wait3A_183 = tpu.memref_slice %arg3[%add3A, %dma_wait3A_181, %dma_wait3A_182] : memref<32x4x128xi32, #tpu.memory_space<hbm>> -> memref<1x4x128xi32, #tpu.memory_space<hbm>>
      %dma_wait3A_184 = tpu.memref_squeeze %dma_wait3A_183 : memref<1x4x128xi32, #tpu.memory_space<hbm>> -> memref<4x128xi32, #tpu.memory_space<hbm>>
      tpu.wait_dma2 semaphore(%run_scoped3A : memref<!tpu.dma_semaphore, #tpu.memory_space<semaphore_mem>>) src(%dma_wait3A_184 : memref<4x128xi32, #tpu.memory_space<hbm>>) dst(%arg10 : memref<4x128xi32, #tpu.memory_space<vmem>>)
      tpu.yield
    }) : () -> ()
    "tpu.region"() ({
      %run_scoped3A = tpu.sem_alloc : memref<!tpu.dma_semaphore, #tpu.memory_space<semaphore_mem>>
      tpu.enqueue_dma source(%arg6 : memref<16xf32, #tpu.memory_space<hbm>>) target(%arg13 : memref<16xf32, #tpu.memory_space<vmem>>) target_semaphore(%run_scoped3A : memref<!tpu.dma_semaphore, #tpu.memory_space<semaphore_mem>>)
      tpu.wait_dma2 semaphore(%run_scoped3A : memref<!tpu.dma_semaphore, #tpu.memory_space<semaphore_mem>>) src(%arg6 : memref<16xf32, #tpu.memory_space<hbm>>) dst(%arg13 : memref<16xf32, #tpu.memory_space<vmem>>)
      tpu.yield
    }) : () -> ()
    "tpu.region"() ({
      %run_scoped3A = tpu.sem_alloc : memref<!tpu.dma_semaphore, #tpu.memory_space<semaphore_mem>>
      tpu.enqueue_dma source(%arg7 : memref<16xf32, #tpu.memory_space<hbm>>) target(%arg14 : memref<16xf32, #tpu.memory_space<vmem>>) target_semaphore(%run_scoped3A : memref<!tpu.dma_semaphore, #tpu.memory_space<semaphore_mem>>)
      tpu.wait_dma2 semaphore(%run_scoped3A : memref<!tpu.dma_semaphore, #tpu.memory_space<semaphore_mem>>) src(%arg7 : memref<16xf32, #tpu.memory_space<hbm>>) dst(%arg14 : memref<16xf32, #tpu.memory_space<vmem>>)
      tpu.yield
    }) : () -> ()
    %dma_start3A = arith.constant 0 : i32
    %dma_start3A_1 = arith.constant 0 : i32
    %dma_start3A_2 = arith.constant 0 : i32
    %dma_start3A_3 = tpu.memref_slice %arg11[%dma_start3A_1, %dma_start3A_2] : memref<512x32xf32, #tpu.memory_space<vmem>> -> memref<128x32xf32, #tpu.memory_space<vmem>>
    %dma_start3A_4 = arith.constant 0 : i32
    %dma_start3A_5 = tpu.memref_slice %arg9[%dma_start3A, %dma_start3A_4] : memref<4x128xi32, #tpu.memory_space<vmem>> -> memref<1x128xi32, #tpu.memory_space<vmem>>
    %dma_start3A_6 = tpu.memref_squeeze %dma_start3A_5 : memref<1x128xi32, #tpu.memory_space<vmem>> -> memref<128xi32, #tpu.memory_space<vmem>>
    %dma_start3A_7 = arith.constant 0 : i32
    %dma_start3A_8 = arith.constant 0 : i32
    %dma_start3A_9 = tpu.memref_slice %arg4[%dma_start3A_7, %dma_start3A_8] : memref<1000000x32xf32, #tpu.memory_space<hbm>> -> memref<1000000x32xf32, #tpu.memory_space<hbm>>
    tpu.enqueue_indirect_dma source(%dma_start3A_9 : memref<1000000x32xf32, #tpu.memory_space<hbm>>) target(%dma_start3A_3 : memref<128x32xf32, #tpu.memory_space<vmem>>) offsets(%dma_start3A_6 : memref<128xi32, #tpu.memory_space<vmem>>) semaphore(%arg16 : memref<!tpu.dma_semaphore, #tpu.memory_space<semaphore_mem>>)
    %dma_start3A_10 = arith.constant 0 : i32
    %dma_start3A_11 = arith.constant 0 : i32
    %dma_start3A_12 = arith.constant 0 : i32
    %dma_start3A_13 = tpu.memref_slice %arg12[%dma_start3A_11, %dma_start3A_12] : memref<512x32xf32, #tpu.memory_space<vmem>> -> memref<128x32xf32, #tpu.memory_space<vmem>>
    %dma_start3A_14 = arith.constant 0 : i32
    %dma_start3A_15 = tpu.memref_slice %arg10[%dma_start3A_10, %dma_start3A_14] : memref<4x128xi32, #tpu.memory_space<vmem>> -> memref<1x128xi32, #tpu.memory_space<vmem>>
    %dma_start3A_16 = tpu.memref_squeeze %dma_start3A_15 : memref<1x128xi32, #tpu.memory_space<vmem>> -> memref<128xi32, #tpu.memory_space<vmem>>
    %dma_start3A_17 = arith.constant 0 : i32
    %dma_start3A_18 = arith.constant 0 : i32
    %dma_start3A_19 = tpu.memref_slice %arg5[%dma_start3A_17, %dma_start3A_18] : memref<100000x32xf32, #tpu.memory_space<hbm>> -> memref<100000x32xf32, #tpu.memory_space<hbm>>
    tpu.enqueue_indirect_dma source(%dma_start3A_19 : memref<100000x32xf32, #tpu.memory_space<hbm>>) target(%dma_start3A_13 : memref<128x32xf32, #tpu.memory_space<vmem>>) offsets(%dma_start3A_16 : memref<128xi32, #tpu.memory_space<vmem>>) semaphore(%arg16 : memref<!tpu.dma_semaphore, #tpu.memory_space<semaphore_mem>>)
    %dma_start3A_20 = arith.constant 1 : i32
    %dma_start3A_21 = arith.constant 128 : i32
    %dma_start3A_22 = arith.constant 0 : i32
    %dma_start3A_23 = tpu.memref_slice %arg11[%dma_start3A_21, %dma_start3A_22] : memref<512x32xf32, #tpu.memory_space<vmem>> -> memref<128x32xf32, #tpu.memory_space<vmem>>
    %dma_start3A_24 = arith.constant 0 : i32
    %dma_start3A_25 = tpu.memref_slice %arg9[%dma_start3A_20, %dma_start3A_24] : memref<4x128xi32, #tpu.memory_space<vmem>> -> memref<1x128xi32, #tpu.memory_space<vmem>>
    %dma_start3A_26 = tpu.memref_squeeze %dma_start3A_25 : memref<1x128xi32, #tpu.memory_space<vmem>> -> memref<128xi32, #tpu.memory_space<vmem>>
    %dma_start3A_27 = arith.constant 0 : i32
    %dma_start3A_28 = arith.constant 0 : i32
    %dma_start3A_29 = tpu.memref_slice %arg4[%dma_start3A_27, %dma_start3A_28] : memref<1000000x32xf32, #tpu.memory_space<hbm>> -> memref<1000000x32xf32, #tpu.memory_space<hbm>>
    tpu.enqueue_indirect_dma source(%dma_start3A_29 : memref<1000000x32xf32, #tpu.memory_space<hbm>>) target(%dma_start3A_23 : memref<128x32xf32, #tpu.memory_space<vmem>>) offsets(%dma_start3A_26 : memref<128xi32, #tpu.memory_space<vmem>>) semaphore(%arg16 : memref<!tpu.dma_semaphore, #tpu.memory_space<semaphore_mem>>)
    %dma_start3A_30 = arith.constant 1 : i32
    %dma_start3A_31 = arith.constant 128 : i32
    %dma_start3A_32 = arith.constant 0 : i32
    %dma_start3A_33 = tpu.memref_slice %arg12[%dma_start3A_31, %dma_start3A_32] : memref<512x32xf32, #tpu.memory_space<vmem>> -> memref<128x32xf32, #tpu.memory_space<vmem>>
    %dma_start3A_34 = arith.constant 0 : i32
    %dma_start3A_35 = tpu.memref_slice %arg10[%dma_start3A_30, %dma_start3A_34] : memref<4x128xi32, #tpu.memory_space<vmem>> -> memref<1x128xi32, #tpu.memory_space<vmem>>
    %dma_start3A_36 = tpu.memref_squeeze %dma_start3A_35 : memref<1x128xi32, #tpu.memory_space<vmem>> -> memref<128xi32, #tpu.memory_space<vmem>>
    %dma_start3A_37 = arith.constant 0 : i32
    %dma_start3A_38 = arith.constant 0 : i32
    %dma_start3A_39 = tpu.memref_slice %arg5[%dma_start3A_37, %dma_start3A_38] : memref<100000x32xf32, #tpu.memory_space<hbm>> -> memref<100000x32xf32, #tpu.memory_space<hbm>>
    tpu.enqueue_indirect_dma source(%dma_start3A_39 : memref<100000x32xf32, #tpu.memory_space<hbm>>) target(%dma_start3A_33 : memref<128x32xf32, #tpu.memory_space<vmem>>) offsets(%dma_start3A_36 : memref<128xi32, #tpu.memory_space<vmem>>) semaphore(%arg16 : memref<!tpu.dma_semaphore, #tpu.memory_space<semaphore_mem>>)
    %dma_start3A_40 = arith.constant 2 : i32
    %dma_start3A_41 = arith.constant 256 : i32
    %dma_start3A_42 = arith.constant 0 : i32
    %dma_start3A_43 = tpu.memref_slice %arg11[%dma_start3A_41, %dma_start3A_42] : memref<512x32xf32, #tpu.memory_space<vmem>> -> memref<128x32xf32, #tpu.memory_space<vmem>>
    %dma_start3A_44 = arith.constant 0 : i32
    %dma_start3A_45 = tpu.memref_slice %arg9[%dma_start3A_40, %dma_start3A_44] : memref<4x128xi32, #tpu.memory_space<vmem>> -> memref<1x128xi32, #tpu.memory_space<vmem>>
    %dma_start3A_46 = tpu.memref_squeeze %dma_start3A_45 : memref<1x128xi32, #tpu.memory_space<vmem>> -> memref<128xi32, #tpu.memory_space<vmem>>
    %dma_start3A_47 = arith.constant 0 : i32
    %dma_start3A_48 = arith.constant 0 : i32
    %dma_start3A_49 = tpu.memref_slice %arg4[%dma_start3A_47, %dma_start3A_48] : memref<1000000x32xf32, #tpu.memory_space<hbm>> -> memref<1000000x32xf32, #tpu.memory_space<hbm>>
    tpu.enqueue_indirect_dma source(%dma_start3A_49 : memref<1000000x32xf32, #tpu.memory_space<hbm>>) target(%dma_start3A_43 : memref<128x32xf32, #tpu.memory_space<vmem>>) offsets(%dma_start3A_46 : memref<128xi32, #tpu.memory_space<vmem>>) semaphore(%arg16 : memref<!tpu.dma_semaphore, #tpu.memory_space<semaphore_mem>>)
    %dma_start3A_50 = arith.constant 2 : i32
    %dma_start3A_51 = arith.constant 256 : i32
    %dma_start3A_52 = arith.constant 0 : i32
    %dma_start3A_53 = tpu.memref_slice %arg12[%dma_start3A_51, %dma_start3A_52] : memref<512x32xf32, #tpu.memory_space<vmem>> -> memref<128x32xf32, #tpu.memory_space<vmem>>
    %dma_start3A_54 = arith.constant 0 : i32
    %dma_start3A_55 = tpu.memref_slice %arg10[%dma_start3A_50, %dma_start3A_54] : memref<4x128xi32, #tpu.memory_space<vmem>> -> memref<1x128xi32, #tpu.memory_space<vmem>>
    %dma_start3A_56 = tpu.memref_squeeze %dma_start3A_55 : memref<1x128xi32, #tpu.memory_space<vmem>> -> memref<128xi32, #tpu.memory_space<vmem>>
    %dma_start3A_57 = arith.constant 0 : i32
    %dma_start3A_58 = arith.constant 0 : i32
    %dma_start3A_59 = tpu.memref_slice %arg5[%dma_start3A_57, %dma_start3A_58] : memref<100000x32xf32, #tpu.memory_space<hbm>> -> memref<100000x32xf32, #tpu.memory_space<hbm>>
    tpu.enqueue_indirect_dma source(%dma_start3A_59 : memref<100000x32xf32, #tpu.memory_space<hbm>>) target(%dma_start3A_53 : memref<128x32xf32, #tpu.memory_space<vmem>>) offsets(%dma_start3A_56 : memref<128xi32, #tpu.memory_space<vmem>>) semaphore(%arg16 : memref<!tpu.dma_semaphore, #tpu.memory_space<semaphore_mem>>)
    %dma_start3A_60 = arith.constant 3 : i32
    %dma_start3A_61 = arith.constant 384 : i32
    %dma_start3A_62 = arith.constant 0 : i32
    %dma_start3A_63 = tpu.memref_slice %arg11[%dma_start3A_61, %dma_start3A_62] : memref<512x32xf32, #tpu.memory_space<vmem>> -> memref<128x32xf32, #tpu.memory_space<vmem>>
    %dma_start3A_64 = arith.constant 0 : i32
    %dma_start3A_65 = tpu.memref_slice %arg9[%dma_start3A_60, %dma_start3A_64] : memref<4x128xi32, #tpu.memory_space<vmem>> -> memref<1x128xi32, #tpu.memory_space<vmem>>
    %dma_start3A_66 = tpu.memref_squeeze %dma_start3A_65 : memref<1x128xi32, #tpu.memory_space<vmem>> -> memref<128xi32, #tpu.memory_space<vmem>>
    %dma_start3A_67 = arith.constant 0 : i32
    %dma_start3A_68 = arith.constant 0 : i32
    %dma_start3A_69 = tpu.memref_slice %arg4[%dma_start3A_67, %dma_start3A_68] : memref<1000000x32xf32, #tpu.memory_space<hbm>> -> memref<1000000x32xf32, #tpu.memory_space<hbm>>
    tpu.enqueue_indirect_dma source(%dma_start3A_69 : memref<1000000x32xf32, #tpu.memory_space<hbm>>) target(%dma_start3A_63 : memref<128x32xf32, #tpu.memory_space<vmem>>) offsets(%dma_start3A_66 : memref<128xi32, #tpu.memory_space<vmem>>) semaphore(%arg16 : memref<!tpu.dma_semaphore, #tpu.memory_space<semaphore_mem>>)
    %dma_start3A_70 = arith.constant 3 : i32
    %dma_start3A_71 = arith.constant 384 : i32
    %dma_start3A_72 = arith.constant 0 : i32
    %dma_start3A_73 = tpu.memref_slice %arg12[%dma_start3A_71, %dma_start3A_72] : memref<512x32xf32, #tpu.memory_space<vmem>> -> memref<128x32xf32, #tpu.memory_space<vmem>>
    %dma_start3A_74 = arith.constant 0 : i32
    %dma_start3A_75 = tpu.memref_slice %arg10[%dma_start3A_70, %dma_start3A_74] : memref<4x128xi32, #tpu.memory_space<vmem>> -> memref<1x128xi32, #tpu.memory_space<vmem>>
    %dma_start3A_76 = tpu.memref_squeeze %dma_start3A_75 : memref<1x128xi32, #tpu.memory_space<vmem>> -> memref<128xi32, #tpu.memory_space<vmem>>
    %dma_start3A_77 = arith.constant 0 : i32
    %dma_start3A_78 = arith.constant 0 : i32
    %dma_start3A_79 = tpu.memref_slice %arg5[%dma_start3A_77, %dma_start3A_78] : memref<100000x32xf32, #tpu.memory_space<hbm>> -> memref<100000x32xf32, #tpu.memory_space<hbm>>
    tpu.enqueue_indirect_dma source(%dma_start3A_79 : memref<100000x32xf32, #tpu.memory_space<hbm>>) target(%dma_start3A_73 : memref<128x32xf32, #tpu.memory_space<vmem>>) offsets(%dma_start3A_76 : memref<128xi32, #tpu.memory_space<vmem>>) semaphore(%arg16 : memref<!tpu.dma_semaphore, #tpu.memory_space<semaphore_mem>>)
    %dma_wait3A = arith.constant 0 : i32
    %dma_wait3A_80 = arith.constant 0 : i32
    %dma_wait3A_81 = arith.constant 0 : i32
    %dma_wait3A_82 = tpu.memref_slice %arg11[%dma_wait3A_80, %dma_wait3A_81] : memref<512x32xf32, #tpu.memory_space<vmem>> -> memref<128x32xf32, #tpu.memory_space<vmem>>
    %dma_wait3A_83 = arith.constant 0 : i32
    %dma_wait3A_84 = tpu.memref_slice %arg9[%dma_wait3A, %dma_wait3A_83] : memref<4x128xi32, #tpu.memory_space<vmem>> -> memref<1x128xi32, #tpu.memory_space<vmem>>
    %dma_wait3A_85 = tpu.memref_squeeze %dma_wait3A_84 : memref<1x128xi32, #tpu.memory_space<vmem>> -> memref<128xi32, #tpu.memory_space<vmem>>
    %dma_wait3A_86 = arith.constant 0 : i32
    %dma_wait3A_87 = arith.constant 0 : i32
    %dma_wait3A_88 = tpu.memref_slice %arg4[%dma_wait3A_86, %dma_wait3A_87] : memref<1000000x32xf32, #tpu.memory_space<hbm>> -> memref<1000000x32xf32, #tpu.memory_space<hbm>>
    tpu.wait_indirect_dma semaphore(%arg16 : memref<!tpu.dma_semaphore, #tpu.memory_space<semaphore_mem>>) src(%dma_wait3A_88 : memref<1000000x32xf32, #tpu.memory_space<hbm>>) dst(%dma_wait3A_82 : memref<128x32xf32, #tpu.memory_space<vmem>>)
    %dma_wait3A_89 = arith.constant 0 : i32
    %dma_wait3A_90 = arith.constant 0 : i32
    %dma_wait3A_91 = arith.constant 0 : i32
    %dma_wait3A_92 = tpu.memref_slice %arg12[%dma_wait3A_90, %dma_wait3A_91] : memref<512x32xf32, #tpu.memory_space<vmem>> -> memref<128x32xf32, #tpu.memory_space<vmem>>
    %dma_wait3A_93 = arith.constant 0 : i32
    %dma_wait3A_94 = tpu.memref_slice %arg10[%dma_wait3A_89, %dma_wait3A_93] : memref<4x128xi32, #tpu.memory_space<vmem>> -> memref<1x128xi32, #tpu.memory_space<vmem>>
    %dma_wait3A_95 = tpu.memref_squeeze %dma_wait3A_94 : memref<1x128xi32, #tpu.memory_space<vmem>> -> memref<128xi32, #tpu.memory_space<vmem>>
    %dma_wait3A_96 = arith.constant 0 : i32
    %dma_wait3A_97 = arith.constant 0 : i32
    %dma_wait3A_98 = tpu.memref_slice %arg5[%dma_wait3A_96, %dma_wait3A_97] : memref<100000x32xf32, #tpu.memory_space<hbm>> -> memref<100000x32xf32, #tpu.memory_space<hbm>>
    tpu.wait_indirect_dma semaphore(%arg16 : memref<!tpu.dma_semaphore, #tpu.memory_space<semaphore_mem>>) src(%dma_wait3A_98 : memref<100000x32xf32, #tpu.memory_space<hbm>>) dst(%dma_wait3A_92 : memref<128x32xf32, #tpu.memory_space<vmem>>)
    %dma_wait3A_99 = arith.constant 1 : i32
    %dma_wait3A_100 = arith.constant 128 : i32
    %dma_wait3A_101 = arith.constant 0 : i32
    %dma_wait3A_102 = tpu.memref_slice %arg11[%dma_wait3A_100, %dma_wait3A_101] : memref<512x32xf32, #tpu.memory_space<vmem>> -> memref<128x32xf32, #tpu.memory_space<vmem>>
    %dma_wait3A_103 = arith.constant 0 : i32
    %dma_wait3A_104 = tpu.memref_slice %arg9[%dma_wait3A_99, %dma_wait3A_103] : memref<4x128xi32, #tpu.memory_space<vmem>> -> memref<1x128xi32, #tpu.memory_space<vmem>>
    %dma_wait3A_105 = tpu.memref_squeeze %dma_wait3A_104 : memref<1x128xi32, #tpu.memory_space<vmem>> -> memref<128xi32, #tpu.memory_space<vmem>>
    %dma_wait3A_106 = arith.constant 0 : i32
    %dma_wait3A_107 = arith.constant 0 : i32
    %dma_wait3A_108 = tpu.memref_slice %arg4[%dma_wait3A_106, %dma_wait3A_107] : memref<1000000x32xf32, #tpu.memory_space<hbm>> -> memref<1000000x32xf32, #tpu.memory_space<hbm>>
    tpu.wait_indirect_dma semaphore(%arg16 : memref<!tpu.dma_semaphore, #tpu.memory_space<semaphore_mem>>) src(%dma_wait3A_108 : memref<1000000x32xf32, #tpu.memory_space<hbm>>) dst(%dma_wait3A_102 : memref<128x32xf32, #tpu.memory_space<vmem>>)
    %dma_wait3A_109 = arith.constant 1 : i32
    %dma_wait3A_110 = arith.constant 128 : i32
    %dma_wait3A_111 = arith.constant 0 : i32
    %dma_wait3A_112 = tpu.memref_slice %arg12[%dma_wait3A_110, %dma_wait3A_111] : memref<512x32xf32, #tpu.memory_space<vmem>> -> memref<128x32xf32, #tpu.memory_space<vmem>>
    %dma_wait3A_113 = arith.constant 0 : i32
    %dma_wait3A_114 = tpu.memref_slice %arg10[%dma_wait3A_109, %dma_wait3A_113] : memref<4x128xi32, #tpu.memory_space<vmem>> -> memref<1x128xi32, #tpu.memory_space<vmem>>
    %dma_wait3A_115 = tpu.memref_squeeze %dma_wait3A_114 : memref<1x128xi32, #tpu.memory_space<vmem>> -> memref<128xi32, #tpu.memory_space<vmem>>
    %dma_wait3A_116 = arith.constant 0 : i32
    %dma_wait3A_117 = arith.constant 0 : i32
    %dma_wait3A_118 = tpu.memref_slice %arg5[%dma_wait3A_116, %dma_wait3A_117] : memref<100000x32xf32, #tpu.memory_space<hbm>> -> memref<100000x32xf32, #tpu.memory_space<hbm>>
    tpu.wait_indirect_dma semaphore(%arg16 : memref<!tpu.dma_semaphore, #tpu.memory_space<semaphore_mem>>) src(%dma_wait3A_118 : memref<100000x32xf32, #tpu.memory_space<hbm>>) dst(%dma_wait3A_112 : memref<128x32xf32, #tpu.memory_space<vmem>>)
    %dma_wait3A_119 = arith.constant 2 : i32
    %dma_wait3A_120 = arith.constant 256 : i32
    %dma_wait3A_121 = arith.constant 0 : i32
    %dma_wait3A_122 = tpu.memref_slice %arg11[%dma_wait3A_120, %dma_wait3A_121] : memref<512x32xf32, #tpu.memory_space<vmem>> -> memref<128x32xf32, #tpu.memory_space<vmem>>
    %dma_wait3A_123 = arith.constant 0 : i32
    %dma_wait3A_124 = tpu.memref_slice %arg9[%dma_wait3A_119, %dma_wait3A_123] : memref<4x128xi32, #tpu.memory_space<vmem>> -> memref<1x128xi32, #tpu.memory_space<vmem>>
    %dma_wait3A_125 = tpu.memref_squeeze %dma_wait3A_124 : memref<1x128xi32, #tpu.memory_space<vmem>> -> memref<128xi32, #tpu.memory_space<vmem>>
    %dma_wait3A_126 = arith.constant 0 : i32
    %dma_wait3A_127 = arith.constant 0 : i32
    %dma_wait3A_128 = tpu.memref_slice %arg4[%dma_wait3A_126, %dma_wait3A_127] : memref<1000000x32xf32, #tpu.memory_space<hbm>> -> memref<1000000x32xf32, #tpu.memory_space<hbm>>
    tpu.wait_indirect_dma semaphore(%arg16 : memref<!tpu.dma_semaphore, #tpu.memory_space<semaphore_mem>>) src(%dma_wait3A_128 : memref<1000000x32xf32, #tpu.memory_space<hbm>>) dst(%dma_wait3A_122 : memref<128x32xf32, #tpu.memory_space<vmem>>)
    %dma_wait3A_129 = arith.constant 2 : i32
    %dma_wait3A_130 = arith.constant 256 : i32
    %dma_wait3A_131 = arith.constant 0 : i32
    %dma_wait3A_132 = tpu.memref_slice %arg12[%dma_wait3A_130, %dma_wait3A_131] : memref<512x32xf32, #tpu.memory_space<vmem>> -> memref<128x32xf32, #tpu.memory_space<vmem>>
    %dma_wait3A_133 = arith.constant 0 : i32
    %dma_wait3A_134 = tpu.memref_slice %arg10[%dma_wait3A_129, %dma_wait3A_133] : memref<4x128xi32, #tpu.memory_space<vmem>> -> memref<1x128xi32, #tpu.memory_space<vmem>>
    %dma_wait3A_135 = tpu.memref_squeeze %dma_wait3A_134 : memref<1x128xi32, #tpu.memory_space<vmem>> -> memref<128xi32, #tpu.memory_space<vmem>>
    %dma_wait3A_136 = arith.constant 0 : i32
    %dma_wait3A_137 = arith.constant 0 : i32
    %dma_wait3A_138 = tpu.memref_slice %arg5[%dma_wait3A_136, %dma_wait3A_137] : memref<100000x32xf32, #tpu.memory_space<hbm>> -> memref<100000x32xf32, #tpu.memory_space<hbm>>
    tpu.wait_indirect_dma semaphore(%arg16 : memref<!tpu.dma_semaphore, #tpu.memory_space<semaphore_mem>>) src(%dma_wait3A_138 : memref<100000x32xf32, #tpu.memory_space<hbm>>) dst(%dma_wait3A_132 : memref<128x32xf32, #tpu.memory_space<vmem>>)
    %dma_wait3A_139 = arith.constant 3 : i32
    %dma_wait3A_140 = arith.constant 384 : i32
    %dma_wait3A_141 = arith.constant 0 : i32
    %dma_wait3A_142 = tpu.memref_slice %arg11[%dma_wait3A_140, %dma_wait3A_141] : memref<512x32xf32, #tpu.memory_space<vmem>> -> memref<128x32xf32, #tpu.memory_space<vmem>>
    %dma_wait3A_143 = arith.constant 0 : i32
    %dma_wait3A_144 = tpu.memref_slice %arg9[%dma_wait3A_139, %dma_wait3A_143] : memref<4x128xi32, #tpu.memory_space<vmem>> -> memref<1x128xi32, #tpu.memory_space<vmem>>
    %dma_wait3A_145 = tpu.memref_squeeze %dma_wait3A_144 : memref<1x128xi32, #tpu.memory_space<vmem>> -> memref<128xi32, #tpu.memory_space<vmem>>
    %dma_wait3A_146 = arith.constant 0 : i32
    %dma_wait3A_147 = arith.constant 0 : i32
    %dma_wait3A_148 = tpu.memref_slice %arg4[%dma_wait3A_146, %dma_wait3A_147] : memref<1000000x32xf32, #tpu.memory_space<hbm>> -> memref<1000000x32xf32, #tpu.memory_space<hbm>>
    tpu.wait_indirect_dma semaphore(%arg16 : memref<!tpu.dma_semaphore, #tpu.memory_space<semaphore_mem>>) src(%dma_wait3A_148 : memref<1000000x32xf32, #tpu.memory_space<hbm>>) dst(%dma_wait3A_142 : memref<128x32xf32, #tpu.memory_space<vmem>>)
    %dma_wait3A_149 = arith.constant 3 : i32
    %dma_wait3A_150 = arith.constant 384 : i32
    %dma_wait3A_151 = arith.constant 0 : i32
    %dma_wait3A_152 = tpu.memref_slice %arg12[%dma_wait3A_150, %dma_wait3A_151] : memref<512x32xf32, #tpu.memory_space<vmem>> -> memref<128x32xf32, #tpu.memory_space<vmem>>
    %dma_wait3A_153 = arith.constant 0 : i32
    %dma_wait3A_154 = tpu.memref_slice %arg10[%dma_wait3A_149, %dma_wait3A_153] : memref<4x128xi32, #tpu.memory_space<vmem>> -> memref<1x128xi32, #tpu.memory_space<vmem>>
    %dma_wait3A_155 = tpu.memref_squeeze %dma_wait3A_154 : memref<1x128xi32, #tpu.memory_space<vmem>> -> memref<128xi32, #tpu.memory_space<vmem>>
    %dma_wait3A_156 = arith.constant 0 : i32
    %dma_wait3A_157 = arith.constant 0 : i32
    %dma_wait3A_158 = tpu.memref_slice %arg5[%dma_wait3A_156, %dma_wait3A_157] : memref<100000x32xf32, #tpu.memory_space<hbm>> -> memref<100000x32xf32, #tpu.memory_space<hbm>>
    tpu.wait_indirect_dma semaphore(%arg16 : memref<!tpu.dma_semaphore, #tpu.memory_space<semaphore_mem>>) src(%dma_wait3A_158 : memref<100000x32xf32, #tpu.memory_space<hbm>>) dst(%dma_wait3A_152 : memref<128x32xf32, #tpu.memory_space<vmem>>)
    %get3A = arith.constant 0 : index
    %get3A_159 = tpu.vector_load %arg13[%get3A] {strides = array<i32>} : memref<16xf32, #tpu.memory_space<vmem>>, vector<16xf32>,
    %get3A_160 = arith.constant 0 : index
    %get3A_161 = tpu.vector_load %arg14[%get3A_160] {strides = array<i32>} : memref<16xf32, #tpu.memory_space<vmem>>, vector<16xf32>,
    %iota3A = tpu.iota {dimensions = array<i32: 0>} : vector<16xi32>
    %scan3A = arith.constant 0 : i32
    %scan3A_162 = arith.constant 0 : i32
    %scan3A_163 = arith.constant 32 : i32
    %scan3A_164 = arith.addi %scan3A_162, %scan3A_163 : i32
    %scan3A_165 = arith.constant 1 : i32
    scf.for %scan3A_169 = %scan3A_162 to %scan3A_164 step %scan3A_165  : i32 {
      %mul3A_170 = arith.constant 16 : i32
      %mul3A_171 = arith.muli %scan3A_169, %mul3A_170 : i32
      %add3A_172 = vector.broadcast %mul3A_171 : i32 to vector<16xi32>
      %add3A_173 = arith.addi %add3A_172, %iota3A : vector<16xi32>
      %broadcast_in_dim3A = arith.constant 0.000000e+00 : f32
      %broadcast_in_dim3A_174 = vector.broadcast %broadcast_in_dim3A : f32 to vector<16xf32>
      %broadcast_in_dim3A_175 = arith.constant 0 : i32
      %broadcast_in_dim3A_176 = vector.broadcast %broadcast_in_dim3A_175 : i32 to vector<16xi32>
      %gather3A = tpu.vector_load_idx %arg11[%add3A_173, %broadcast_in_dim3A_176] : memref<512x32xf32, #tpu.memory_space<vmem>>[vector<16xi32>, vector<16xi32>], vector<16xf32>,
      %gather3A_177 = tpu.vector_load_idx %arg12[%add3A_173, %broadcast_in_dim3A_176] : memref<512x32xf32, #tpu.memory_space<vmem>>[vector<16xi32>, vector<16xi32>], vector<16xf32>,
      %mul3A_178 = arith.mulf %gather3A, %gather3A_177 : vector<16xf32>
      %add3A_179 = arith.addf %broadcast_in_dim3A_174, %mul3A_178 : vector<16xf32>
      %broadcast_in_dim3A_180 = arith.constant 1 : i32
      %broadcast_in_dim3A_181 = vector.broadcast %broadcast_in_dim3A_180 : i32 to vector<16xi32>
      %gather3A_182 = tpu.vector_load_idx %arg11[%add3A_173, %broadcast_in_dim3A_181] : memref<512x32xf32, #tpu.memory_space<vmem>>[vector<16xi32>, vector<16xi32>], vector<16xf32>,
      %gather3A_183 = tpu.vector_load_idx %arg12[%add3A_173, %broadcast_in_dim3A_181] : memref<512x32xf32, #tpu.memory_space<vmem>>[vector<16xi32>, vector<16xi32>], vector<16xf32>,
      %mul3A_184 = arith.mulf %gather3A_182, %gather3A_183 : vector<16xf32>
      %add3A_185 = arith.addf %add3A_179, %mul3A_184 : vector<16xf32>
      %broadcast_in_dim3A_186 = arith.constant 2 : i32
      %broadcast_in_dim3A_187 = vector.broadcast %broadcast_in_dim3A_186 : i32 to vector<16xi32>
      %gather3A_188 = tpu.vector_load_idx %arg11[%add3A_173, %broadcast_in_dim3A_187] : memref<512x32xf32, #tpu.memory_space<vmem>>[vector<16xi32>, vector<16xi32>], vector<16xf32>,
      %gather3A_189 = tpu.vector_load_idx %arg12[%add3A_173, %broadcast_in_dim3A_187] : memref<512x32xf32, #tpu.memory_space<vmem>>[vector<16xi32>, vector<16xi32>], vector<16xf32>,
      %mul3A_190 = arith.mulf %gather3A_188, %gather3A_189 : vector<16xf32>
      %add3A_191 = arith.addf %add3A_185, %mul3A_190 : vector<16xf32>
      %broadcast_in_dim3A_192 = arith.constant 3 : i32
      %broadcast_in_dim3A_193 = vector.broadcast %broadcast_in_dim3A_192 : i32 to vector<16xi32>
      %gather3A_194 = tpu.vector_load_idx %arg11[%add3A_173, %broadcast_in_dim3A_193] : memref<512x32xf32, #tpu.memory_space<vmem>>[vector<16xi32>, vector<16xi32>], vector<16xf32>,
      %gather3A_195 = tpu.vector_load_idx %arg12[%add3A_173, %broadcast_in_dim3A_193] : memref<512x32xf32, #tpu.memory_space<vmem>>[vector<16xi32>, vector<16xi32>], vector<16xf32>,
      %mul3A_196 = arith.mulf %gather3A_194, %gather3A_195 : vector<16xf32>
      %add3A_197 = arith.addf %add3A_191, %mul3A_196 : vector<16xf32>
      %broadcast_in_dim3A_198 = arith.constant 4 : i32
      %broadcast_in_dim3A_199 = vector.broadcast %broadcast_in_dim3A_198 : i32 to vector<16xi32>
      %gather3A_200 = tpu.vector_load_idx %arg11[%add3A_173, %broadcast_in_dim3A_199] : memref<512x32xf32, #tpu.memory_space<vmem>>[vector<16xi32>, vector<16xi32>], vector<16xf32>,
      %gather3A_201 = tpu.vector_load_idx %arg12[%add3A_173, %broadcast_in_dim3A_199] : memref<512x32xf32, #tpu.memory_space<vmem>>[vector<16xi32>, vector<16xi32>], vector<16xf32>,
      %mul3A_202 = arith.mulf %gather3A_200, %gather3A_201 : vector<16xf32>
      %add3A_203 = arith.addf %add3A_197, %mul3A_202 : vector<16xf32>
      %broadcast_in_dim3A_204 = arith.constant 5 : i32
      %broadcast_in_dim3A_205 = vector.broadcast %broadcast_in_dim3A_204 : i32 to vector<16xi32>
      %gather3A_206 = tpu.vector_load_idx %arg11[%add3A_173, %broadcast_in_dim3A_205] : memref<512x32xf32, #tpu.memory_space<vmem>>[vector<16xi32>, vector<16xi32>], vector<16xf32>,
      %gather3A_207 = tpu.vector_load_idx %arg12[%add3A_173, %broadcast_in_dim3A_205] : memref<512x32xf32, #tpu.memory_space<vmem>>[vector<16xi32>, vector<16xi32>], vector<16xf32>,
      %mul3A_208 = arith.mulf %gather3A_206, %gather3A_207 : vector<16xf32>
      %add3A_209 = arith.addf %add3A_203, %mul3A_208 : vector<16xf32>
      %broadcast_in_dim3A_210 = arith.constant 6 : i32
      %broadcast_in_dim3A_211 = vector.broadcast %broadcast_in_dim3A_210 : i32 to vector<16xi32>
      %gather3A_212 = tpu.vector_load_idx %arg11[%add3A_173, %broadcast_in_dim3A_211] : memref<512x32xf32, #tpu.memory_space<vmem>>[vector<16xi32>, vector<16xi32>], vector<16xf32>,
      %gather3A_213 = tpu.vector_load_idx %arg12[%add3A_173, %broadcast_in_dim3A_211] : memref<512x32xf32, #tpu.memory_space<vmem>>[vector<16xi32>, vector<16xi32>], vector<16xf32>,
      %mul3A_214 = arith.mulf %gather3A_212, %gather3A_213 : vector<16xf32>
      %add3A_215 = arith.addf %add3A_209, %mul3A_214 : vector<16xf32>
      %broadcast_in_dim3A_216 = arith.constant 7 : i32
      %broadcast_in_dim3A_217 = vector.broadcast %broadcast_in_dim3A_216 : i32 to vector<16xi32>
      %gather3A_218 = tpu.vector_load_idx %arg11[%add3A_173, %broadcast_in_dim3A_217] : memref<512x32xf32, #tpu.memory_space<vmem>>[vector<16xi32>, vector<16xi32>], vector<16xf32>,
      %gather3A_219 = tpu.vector_load_idx %arg12[%add3A_173, %broadcast_in_dim3A_217] : memref<512x32xf32, #tpu.memory_space<vmem>>[vector<16xi32>, vector<16xi32>], vector<16xf32>,
      %mul3A_220 = arith.mulf %gather3A_218, %gather3A_219 : vector<16xf32>
      %add3A_221 = arith.addf %add3A_215, %mul3A_220 : vector<16xf32>
      %broadcast_in_dim3A_222 = arith.constant 8 : i32
      %broadcast_in_dim3A_223 = vector.broadcast %broadcast_in_dim3A_222 : i32 to vector<16xi32>
      %gather3A_224 = tpu.vector_load_idx %arg11[%add3A_173, %broadcast_in_dim3A_223] : memref<512x32xf32, #tpu.memory_space<vmem>>[vector<16xi32>, vector<16xi32>], vector<16xf32>,
      %gather3A_225 = tpu.vector_load_idx %arg12[%add3A_173, %broadcast_in_dim3A_223] : memref<512x32xf32, #tpu.memory_space<vmem>>[vector<16xi32>, vector<16xi32>], vector<16xf32>,
      %mul3A_226 = arith.mulf %gather3A_224, %gather3A_225 : vector<16xf32>
      %add3A_227 = arith.addf %add3A_221, %mul3A_226 : vector<16xf32>
      %broadcast_in_dim3A_228 = arith.constant 9 : i32
      %broadcast_in_dim3A_229 = vector.broadcast %broadcast_in_dim3A_228 : i32 to vector<16xi32>
      %gather3A_230 = tpu.vector_load_idx %arg11[%add3A_173, %broadcast_in_dim3A_229] : memref<512x32xf32, #tpu.memory_space<vmem>>[vector<16xi32>, vector<16xi32>], vector<16xf32>,
      %gather3A_231 = tpu.vector_load_idx %arg12[%add3A_173, %broadcast_in_dim3A_229] : memref<512x32xf32, #tpu.memory_space<vmem>>[vector<16xi32>, vector<16xi32>], vector<16xf32>,
      %mul3A_232 = arith.mulf %gather3A_230, %gather3A_231 : vector<16xf32>
      %add3A_233 = arith.addf %add3A_227, %mul3A_232 : vector<16xf32>
      %broadcast_in_dim3A_234 = arith.constant 10 : i32
      %broadcast_in_dim3A_235 = vector.broadcast %broadcast_in_dim3A_234 : i32 to vector<16xi32>
      %gather3A_236 = tpu.vector_load_idx %arg11[%add3A_173, %broadcast_in_dim3A_235] : memref<512x32xf32, #tpu.memory_space<vmem>>[vector<16xi32>, vector<16xi32>], vector<16xf32>,
      %gather3A_237 = tpu.vector_load_idx %arg12[%add3A_173, %broadcast_in_dim3A_235] : memref<512x32xf32, #tpu.memory_space<vmem>>[vector<16xi32>, vector<16xi32>], vector<16xf32>,
      %mul3A_238 = arith.mulf %gather3A_236, %gather3A_237 : vector<16xf32>
      %add3A_239 = arith.addf %add3A_233, %mul3A_238 : vector<16xf32>
      %broadcast_in_dim3A_240 = arith.constant 11 : i32
      %broadcast_in_dim3A_241 = vector.broadcast %broadcast_in_dim3A_240 : i32 to vector<16xi32>
      %gather3A_242 = tpu.vector_load_idx %arg11[%add3A_173, %broadcast_in_dim3A_241] : memref<512x32xf32, #tpu.memory_space<vmem>>[vector<16xi32>, vector<16xi32>], vector<16xf32>,
      %gather3A_243 = tpu.vector_load_idx %arg12[%add3A_173, %broadcast_in_dim3A_241] : memref<512x32xf32, #tpu.memory_space<vmem>>[vector<16xi32>, vector<16xi32>], vector<16xf32>,
      %mul3A_244 = arith.mulf %gather3A_242, %gather3A_243 : vector<16xf32>
      %add3A_245 = arith.addf %add3A_239, %mul3A_244 : vector<16xf32>
      %broadcast_in_dim3A_246 = arith.constant 12 : i32
      %broadcast_in_dim3A_247 = vector.broadcast %broadcast_in_dim3A_246 : i32 to vector<16xi32>
      %gather3A_248 = tpu.vector_load_idx %arg11[%add3A_173, %broadcast_in_dim3A_247] : memref<512x32xf32, #tpu.memory_space<vmem>>[vector<16xi32>, vector<16xi32>], vector<16xf32>,
      %gather3A_249 = tpu.vector_load_idx %arg12[%add3A_173, %broadcast_in_dim3A_247] : memref<512x32xf32, #tpu.memory_space<vmem>>[vector<16xi32>, vector<16xi32>], vector<16xf32>,
      %mul3A_250 = arith.mulf %gather3A_248, %gather3A_249 : vector<16xf32>
      %add3A_251 = arith.addf %add3A_245, %mul3A_250 : vector<16xf32>
      %broadcast_in_dim3A_252 = arith.constant 13 : i32
      %broadcast_in_dim3A_253 = vector.broadcast %broadcast_in_dim3A_252 : i32 to vector<16xi32>
      %gather3A_254 = tpu.vector_load_idx %arg11[%add3A_173, %broadcast_in_dim3A_253] : memref<512x32xf32, #tpu.memory_space<vmem>>[vector<16xi32>, vector<16xi32>], vector<16xf32>,
      %gather3A_255 = tpu.vector_load_idx %arg12[%add3A_173, %broadcast_in_dim3A_253] : memref<512x32xf32, #tpu.memory_space<vmem>>[vector<16xi32>, vector<16xi32>], vector<16xf32>,
      %mul3A_256 = arith.mulf %gather3A_254, %gather3A_255 : vector<16xf32>
      %add3A_257 = arith.addf %add3A_251, %mul3A_256 : vector<16xf32>
      %broadcast_in_dim3A_258 = arith.constant 14 : i32
      %broadcast_in_dim3A_259 = vector.broadcast %broadcast_in_dim3A_258 : i32 to vector<16xi32>
      %gather3A_260 = tpu.vector_load_idx %arg11[%add3A_173, %broadcast_in_dim3A_259] : memref<512x32xf32, #tpu.memory_space<vmem>>[vector<16xi32>, vector<16xi32>], vector<16xf32>,
      %gather3A_261 = tpu.vector_load_idx %arg12[%add3A_173, %broadcast_in_dim3A_259] : memref<512x32xf32, #tpu.memory_space<vmem>>[vector<16xi32>, vector<16xi32>], vector<16xf32>,
      %mul3A_262 = arith.mulf %gather3A_260, %gather3A_261 : vector<16xf32>
      %add3A_263 = arith.addf %add3A_257, %mul3A_262 : vector<16xf32>
      %broadcast_in_dim3A_264 = arith.constant 15 : i32
      %broadcast_in_dim3A_265 = vector.broadcast %broadcast_in_dim3A_264 : i32 to vector<16xi32>
      %gather3A_266 = tpu.vector_load_idx %arg11[%add3A_173, %broadcast_in_dim3A_265] : memref<512x32xf32, #tpu.memory_space<vmem>>[vector<16xi32>, vector<16xi32>], vector<16xf32>,
      %gather3A_267 = tpu.vector_load_idx %arg12[%add3A_173, %broadcast_in_dim3A_265] : memref<512x32xf32, #tpu.memory_space<vmem>>[vector<16xi32>, vector<16xi32>], vector<16xf32>,
      %mul3A_268 = arith.mulf %gather3A_266, %gather3A_267 : vector<16xf32>
      %add3A_269 = arith.addf %add3A_263, %mul3A_268 : vector<16xf32>
      %broadcast_in_dim3A_270 = arith.constant 16 : i32
      %broadcast_in_dim3A_271 = vector.broadcast %broadcast_in_dim3A_270 : i32 to vector<16xi32>
      %gather3A_272 = tpu.vector_load_idx %arg11[%add3A_173, %broadcast_in_dim3A_271] : memref<512x32xf32, #tpu.memory_space<vmem>>[vector<16xi32>, vector<16xi32>], vector<16xf32>,
      %gather3A_273 = tpu.vector_load_idx %arg12[%add3A_173, %broadcast_in_dim3A_271] : memref<512x32xf32, #tpu.memory_space<vmem>>[vector<16xi32>, vector<16xi32>], vector<16xf32>,
      %mul3A_274 = arith.mulf %gather3A_272, %gather3A_273 : vector<16xf32>
      %add3A_275 = arith.addf %add3A_269, %mul3A_274 : vector<16xf32>
      %broadcast_in_dim3A_276 = arith.constant 17 : i32
      %broadcast_in_dim3A_277 = vector.broadcast %broadcast_in_dim3A_276 : i32 to vector<16xi32>
      %gather3A_278 = tpu.vector_load_idx %arg11[%add3A_173, %broadcast_in_dim3A_277] : memref<512x32xf32, #tpu.memory_space<vmem>>[vector<16xi32>, vector<16xi32>], vector<16xf32>,
      %gather3A_279 = tpu.vector_load_idx %arg12[%add3A_173, %broadcast_in_dim3A_277] : memref<512x32xf32, #tpu.memory_space<vmem>>[vector<16xi32>, vector<16xi32>], vector<16xf32>,
      %mul3A_280 = arith.mulf %gather3A_278, %gather3A_279 : vector<16xf32>
      %add3A_281 = arith.addf %add3A_275, %mul3A_280 : vector<16xf32>
      %broadcast_in_dim3A_282 = arith.constant 18 : i32
      %broadcast_in_dim3A_283 = vector.broadcast %broadcast_in_dim3A_282 : i32 to vector<16xi32>
      %gather3A_284 = tpu.vector_load_idx %arg11[%add3A_173, %broadcast_in_dim3A_283] : memref<512x32xf32, #tpu.memory_space<vmem>>[vector<16xi32>, vector<16xi32>], vector<16xf32>,
      %gather3A_285 = tpu.vector_load_idx %arg12[%add3A_173, %broadcast_in_dim3A_283] : memref<512x32xf32, #tpu.memory_space<vmem>>[vector<16xi32>, vector<16xi32>], vector<16xf32>,
      %mul3A_286 = arith.mulf %gather3A_284, %gather3A_285 : vector<16xf32>
      %add3A_287 = arith.addf %add3A_281, %mul3A_286 : vector<16xf32>
      %broadcast_in_dim3A_288 = arith.constant 19 : i32
      %broadcast_in_dim3A_289 = vector.broadcast %broadcast_in_dim3A_288 : i32 to vector<16xi32>
      %gather3A_290 = tpu.vector_load_idx %arg11[%add3A_173, %broadcast_in_dim3A_289] : memref<512x32xf32, #tpu.memory_space<vmem>>[vector<16xi32>, vector<16xi32>], vector<16xf32>,
      %gather3A_291 = tpu.vector_load_idx %arg12[%add3A_173, %broadcast_in_dim3A_289] : memref<512x32xf32, #tpu.memory_space<vmem>>[vector<16xi32>, vector<16xi32>], vector<16xf32>,
      %mul3A_292 = arith.mulf %gather3A_290, %gather3A_291 : vector<16xf32>
      %add3A_293 = arith.addf %add3A_287, %mul3A_292 : vector<16xf32>
      %broadcast_in_dim3A_294 = arith.constant 20 : i32
      %broadcast_in_dim3A_295 = vector.broadcast %broadcast_in_dim3A_294 : i32 to vector<16xi32>
      %gather3A_296 = tpu.vector_load_idx %arg11[%add3A_173, %broadcast_in_dim3A_295] : memref<512x32xf32, #tpu.memory_space<vmem>>[vector<16xi32>, vector<16xi32>], vector<16xf32>,
      %gather3A_297 = tpu.vector_load_idx %arg12[%add3A_173, %broadcast_in_dim3A_295] : memref<512x32xf32, #tpu.memory_space<vmem>>[vector<16xi32>, vector<16xi32>], vector<16xf32>,
      %mul3A_298 = arith.mulf %gather3A_296, %gather3A_297 : vector<16xf32>
      %add3A_299 = arith.addf %add3A_293, %mul3A_298 : vector<16xf32>
      %broadcast_in_dim3A_300 = arith.constant 21 : i32
      %broadcast_in_dim3A_301 = vector.broadcast %broadcast_in_dim3A_300 : i32 to vector<16xi32>
      %gather3A_302 = tpu.vector_load_idx %arg11[%add3A_173, %broadcast_in_dim3A_301] : memref<512x32xf32, #tpu.memory_space<vmem>>[vector<16xi32>, vector<16xi32>], vector<16xf32>,
      %gather3A_303 = tpu.vector_load_idx %arg12[%add3A_173, %broadcast_in_dim3A_301] : memref<512x32xf32, #tpu.memory_space<vmem>>[vector<16xi32>, vector<16xi32>], vector<16xf32>,
      %mul3A_304 = arith.mulf %gather3A_302, %gather3A_303 : vector<16xf32>
      %add3A_305 = arith.addf %add3A_299, %mul3A_304 : vector<16xf32>
      %broadcast_in_dim3A_306 = arith.constant 22 : i32
      %broadcast_in_dim3A_307 = vector.broadcast %broadcast_in_dim3A_306 : i32 to vector<16xi32>
      %gather3A_308 = tpu.vector_load_idx %arg11[%add3A_173, %broadcast_in_dim3A_307] : memref<512x32xf32, #tpu.memory_space<vmem>>[vector<16xi32>, vector<16xi32>], vector<16xf32>,
      %gather3A_309 = tpu.vector_load_idx %arg12[%add3A_173, %broadcast_in_dim3A_307] : memref<512x32xf32, #tpu.memory_space<vmem>>[vector<16xi32>, vector<16xi32>], vector<16xf32>,
      %mul3A_310 = arith.mulf %gather3A_308, %gather3A_309 : vector<16xf32>
      %add3A_311 = arith.addf %add3A_305, %mul3A_310 : vector<16xf32>
      %broadcast_in_dim3A_312 = arith.constant 23 : i32
      %broadcast_in_dim3A_313 = vector.broadcast %broadcast_in_dim3A_312 : i32 to vector<16xi32>
      %gather3A_314 = tpu.vector_load_idx %arg11[%add3A_173, %broadcast_in_dim3A_313] : memref<512x32xf32, #tpu.memory_space<vmem>>[vector<16xi32>, vector<16xi32>], vector<16xf32>,
      %gather3A_315 = tpu.vector_load_idx %arg12[%add3A_173, %broadcast_in_dim3A_313] : memref<512x32xf32, #tpu.memory_space<vmem>>[vector<16xi32>, vector<16xi32>], vector<16xf32>,
      %mul3A_316 = arith.mulf %gather3A_314, %gather3A_315 : vector<16xf32>
      %add3A_317 = arith.addf %add3A_311, %mul3A_316 : vector<16xf32>
      %broadcast_in_dim3A_318 = arith.constant 24 : i32
      %broadcast_in_dim3A_319 = vector.broadcast %broadcast_in_dim3A_318 : i32 to vector<16xi32>
      %gather3A_320 = tpu.vector_load_idx %arg11[%add3A_173, %broadcast_in_dim3A_319] : memref<512x32xf32, #tpu.memory_space<vmem>>[vector<16xi32>, vector<16xi32>], vector<16xf32>,
      %gather3A_321 = tpu.vector_load_idx %arg12[%add3A_173, %broadcast_in_dim3A_319] : memref<512x32xf32, #tpu.memory_space<vmem>>[vector<16xi32>, vector<16xi32>], vector<16xf32>,
      %mul3A_322 = arith.mulf %gather3A_320, %gather3A_321 : vector<16xf32>
      %add3A_323 = arith.addf %add3A_317, %mul3A_322 : vector<16xf32>
      %broadcast_in_dim3A_324 = arith.constant 25 : i32
      %broadcast_in_dim3A_325 = vector.broadcast %broadcast_in_dim3A_324 : i32 to vector<16xi32>
      %gather3A_326 = tpu.vector_load_idx %arg11[%add3A_173, %broadcast_in_dim3A_325] : memref<512x32xf32, #tpu.memory_space<vmem>>[vector<16xi32>, vector<16xi32>], vector<16xf32>,
      %gather3A_327 = tpu.vector_load_idx %arg12[%add3A_173, %broadcast_in_dim3A_325] : memref<512x32xf32, #tpu.memory_space<vmem>>[vector<16xi32>, vector<16xi32>], vector<16xf32>,
      %mul3A_328 = arith.mulf %gather3A_326, %gather3A_327 : vector<16xf32>
      %add3A_329 = arith.addf %add3A_323, %mul3A_328 : vector<16xf32>
      %broadcast_in_dim3A_330 = arith.constant 26 : i32
      %broadcast_in_dim3A_331 = vector.broadcast %broadcast_in_dim3A_330 : i32 to vector<16xi32>
      %gather3A_332 = tpu.vector_load_idx %arg11[%add3A_173, %broadcast_in_dim3A_331] : memref<512x32xf32, #tpu.memory_space<vmem>>[vector<16xi32>, vector<16xi32>], vector<16xf32>,
      %gather3A_333 = tpu.vector_load_idx %arg12[%add3A_173, %broadcast_in_dim3A_331] : memref<512x32xf32, #tpu.memory_space<vmem>>[vector<16xi32>, vector<16xi32>], vector<16xf32>,
      %mul3A_334 = arith.mulf %gather3A_332, %gather3A_333 : vector<16xf32>
      %add3A_335 = arith.addf %add3A_329, %mul3A_334 : vector<16xf32>
      %broadcast_in_dim3A_336 = arith.constant 27 : i32
      %broadcast_in_dim3A_337 = vector.broadcast %broadcast_in_dim3A_336 : i32 to vector<16xi32>
      %gather3A_338 = tpu.vector_load_idx %arg11[%add3A_173, %broadcast_in_dim3A_337] : memref<512x32xf32, #tpu.memory_space<vmem>>[vector<16xi32>, vector<16xi32>], vector<16xf32>,
      %gather3A_339 = tpu.vector_load_idx %arg12[%add3A_173, %broadcast_in_dim3A_337] : memref<512x32xf32, #tpu.memory_space<vmem>>[vector<16xi32>, vector<16xi32>], vector<16xf32>,
      %mul3A_340 = arith.mulf %gather3A_338, %gather3A_339 : vector<16xf32>
      %add3A_341 = arith.addf %add3A_335, %mul3A_340 : vector<16xf32>
      %broadcast_in_dim3A_342 = arith.constant 28 : i32
      %broadcast_in_dim3A_343 = vector.broadcast %broadcast_in_dim3A_342 : i32 to vector<16xi32>
      %gather3A_344 = tpu.vector_load_idx %arg11[%add3A_173, %broadcast_in_dim3A_343] : memref<512x32xf32, #tpu.memory_space<vmem>>[vector<16xi32>, vector<16xi32>], vector<16xf32>,
      %gather3A_345 = tpu.vector_load_idx %arg12[%add3A_173, %broadcast_in_dim3A_343] : memref<512x32xf32, #tpu.memory_space<vmem>>[vector<16xi32>, vector<16xi32>], vector<16xf32>,
      %mul3A_346 = arith.mulf %gather3A_344, %gather3A_345 : vector<16xf32>
      %add3A_347 = arith.addf %add3A_341, %mul3A_346 : vector<16xf32>
      %broadcast_in_dim3A_348 = arith.constant 29 : i32
      %broadcast_in_dim3A_349 = vector.broadcast %broadcast_in_dim3A_348 : i32 to vector<16xi32>
      %gather3A_350 = tpu.vector_load_idx %arg11[%add3A_173, %broadcast_in_dim3A_349] : memref<512x32xf32, #tpu.memory_space<vmem>>[vector<16xi32>, vector<16xi32>], vector<16xf32>,
      %gather3A_351 = tpu.vector_load_idx %arg12[%add3A_173, %broadcast_in_dim3A_349] : memref<512x32xf32, #tpu.memory_space<vmem>>[vector<16xi32>, vector<16xi32>], vector<16xf32>,
      %mul3A_352 = arith.mulf %gather3A_350, %gather3A_351 : vector<16xf32>
      %add3A_353 = arith.addf %add3A_347, %mul3A_352 : vector<16xf32>
      %broadcast_in_dim3A_354 = arith.constant 30 : i32
      %broadcast_in_dim3A_355 = vector.broadcast %broadcast_in_dim3A_354 : i32 to vector<16xi32>
      %gather3A_356 = tpu.vector_load_idx %arg11[%add3A_173, %broadcast_in_dim3A_355] : memref<512x32xf32, #tpu.memory_space<vmem>>[vector<16xi32>, vector<16xi32>], vector<16xf32>,
      %gather3A_357 = tpu.vector_load_idx %arg12[%add3A_173, %broadcast_in_dim3A_355] : memref<512x32xf32, #tpu.memory_space<vmem>>[vector<16xi32>, vector<16xi32>], vector<16xf32>,
      %mul3A_358 = arith.mulf %gather3A_356, %gather3A_357 : vector<16xf32>
      %add3A_359 = arith.addf %add3A_353, %mul3A_358 : vector<16xf32>
      %broadcast_in_dim3A_360 = arith.constant 31 : i32
      %broadcast_in_dim3A_361 = vector.broadcast %broadcast_in_dim3A_360 : i32 to vector<16xi32>
      %gather3A_362 = tpu.vector_load_idx %arg11[%add3A_173, %broadcast_in_dim3A_361] : memref<512x32xf32, #tpu.memory_space<vmem>>[vector<16xi32>, vector<16xi32>], vector<16xf32>,
      %gather3A_363 = tpu.vector_load_idx %arg12[%add3A_173, %broadcast_in_dim3A_361] : memref<512x32xf32, #tpu.memory_space<vmem>>[vector<16xi32>, vector<16xi32>], vector<16xf32>,
      %mul3A_364 = arith.mulf %gather3A_362, %gather3A_363 : vector<16xf32>
      %add3A_365 = arith.addf %add3A_359, %mul3A_364 : vector<16xf32>
      %neg3A = arith.constant 0.000000e+00 : f32
      %neg3A_366 = vector.broadcast %neg3A : f32 to vector<16xf32>
      %neg3A_367 = arith.subf %neg3A_366, %add3A_365 : vector<16xf32>
      %exp3A = math.exp %neg3A_367 : vector<16xf32>
      %add3A_368 = arith.constant 1.000000e+00 : f32
      %add3A_369 = vector.broadcast %add3A_368 : f32 to vector<16xf32>
      %add3A_370 = arith.addf %add3A_369, %exp3A : vector<16xf32>
      %div3A = arith.constant 1.000000e+00 : f32
      %div3A_371 = vector.broadcast %div3A : f32 to vector<16xf32>
      %div3A_372 = arith.divf %div3A_371, %add3A_370 : vector<16xf32>
      %mul3A_373 = arith.mulf %get3A_159, %div3A_372 : vector<16xf32>
      %add3A_374 = arith.addf %mul3A_373, %get3A_161 : vector<16xf32>
      %neg3A_375 = arith.constant 0.000000e+00 : f32
      %neg3A_376 = vector.broadcast %neg3A_375 : f32 to vector<16xf32>
      %neg3A_377 = arith.subf %neg3A_376, %add3A_374 : vector<16xf32>
      %exp3A_378 = math.exp %neg3A_377 : vector<16xf32>
      %add3A_379 = arith.constant 1.000000e+00 : f32
      %add3A_380 = vector.broadcast %add3A_379 : f32 to vector<16xf32>
      %add3A_381 = arith.addf %add3A_380, %exp3A_378 : vector<16xf32>
      %div3A_382 = arith.constant 1.000000e+00 : f32
      %div3A_383 = vector.broadcast %div3A_382 : f32 to vector<16xf32>
      %div3A_384 = arith.divf %div3A_383, %add3A_381 : vector<16xf32>
      %mul3A_385 = arith.constant 16 : i32
      %mul3A_386 = arith.muli %scan3A_169, %mul3A_385 : i32
      %swap3A = arith.index_cast %mul3A_386 : i32 to index
      %swap3A_387 = tpu.vector_load %arg15[%swap3A] {strides = array<i32>} : memref<512xf32, #tpu.memory_space<vmem>>, vector<16xf32>,
      tpu.vector_store %arg15[%swap3A], %div3A_384 {strides = array<i32>} : memref<512xf32, #tpu.memory_space<vmem>>, vector<16xf32>,
    }
    %scan3A_166 = arith.constant 32 : i32
    %mul3A_167 = arith.constant 512 : i32
    %mul3A_168 = arith.muli %add3A, %mul3A_167 : i32
    "tpu.region"() ({
      %run_scoped3A = tpu.sem_alloc : memref<!tpu.dma_semaphore, #tpu.memory_space<semaphore_mem>>
      %dma_start3A_169 = tpu.memref_slice %arg8[%mul3A_168] : memref<16384xf32, #tpu.memory_space<hbm>> -> memref<512xf32, #tpu.memory_space<hbm>>
      %dma_start3A_170 = tpu.memref_slice %arg8[%mul3A_168] : memref<16384xf32, #tpu.memory_space<hbm>> -> memref<512xf32, #tpu.memory_space<hbm>>
      tpu.enqueue_dma source(%arg15 : memref<512xf32, #tpu.memory_space<vmem>>) target(%dma_start3A_170 : memref<512xf32, #tpu.memory_space<hbm>>) target_semaphore(%run_scoped3A : memref<!tpu.dma_semaphore, #tpu.memory_space<semaphore_mem>>)
      %dma_wait3A_171 = tpu.memref_slice %arg8[%mul3A_168] : memref<16384xf32, #tpu.memory_space<hbm>> -> memref<512xf32, #tpu.memory_space<hbm>>
      %dma_wait3A_172 = tpu.memref_slice %arg8[%mul3A_168] : memref<16384xf32, #tpu.memory_space<hbm>> -> memref<512xf32, #tpu.memory_space<hbm>>
      tpu.wait_dma2 semaphore(%run_scoped3A : memref<!tpu.dma_semaphore, #tpu.memory_space<semaphore_mem>>) src(%arg15 : memref<512xf32, #tpu.memory_space<vmem>>) dst(%dma_wait3A_172 : memref<512xf32, #tpu.memory_space<hbm>>)
      tpu.yield
    }) : () -> ()
    return
  }
}

</mosaic_0001>

<sc_bundles>
// kernel: kernel.3.cloned.1.call-start
scs
__scs_entry_jumppad:
0x0: {  	(pc) =	sbr.rel $0x88, $3  }
0x1: {  	(tag) =	ssettag $0x0;
	lr =	simm.s32 $0x1  }
0x2: {  	[smem:$0x3F9B] =	sst lr;
	_ =	strace $0xD0000000  }
0x3: {  	_ = 	snop  }
0x4: {  	_ = 	snop  }
0x5: {  	_ = 	snop  }
0x6: {  	_ = 	snop  }
0x7: {  	_ = 	snop  }
__scs_overlays_trampoline_lowered:
0x8: {  	[smem:$0x3FAA] =	sst s0  }
0x9: {  	[smem:$0x3FAB] =	sst s1  }
0xa: {  	[smem:$0x3FAC] =	sst s2  }
0xb: {  	[smem:$0x3FAD] =	sst s3  }
0xc: {  	[smem:$0x3FAE] =	sst s4  }
0xd: {  	[smem:$0x3FAF] =	sst s5  }
0xe: {  	[smem:$0x3FB0] =	sst s6  }
0xf: {  	[smem:$0x3FB1] =	sst s7  }
0x10: {  	[smem:$0x3FB2] =	sst s8  }
0x11: {  	[smem:$0x3FB3] =	sst s9;
	s0 =	simm.s32 @!p0 $0x0  }
0x12: {  	s1 =	sld [smem:$0x3F99];
	s0 =	simm.s32 @p0 $0x1  }
0x13: {  	[smem:$0x3FB4] =	sst s0;
	s0 =	simm.s32 @!p1 $0x0  }
0x14: {  	s2 =	sld [smem:$0x3F98];
	s0 =	simm.s32 @p1 $0x1  }
0x15: {  	[smem:$0x3FB5] =	sst s0;
	s0 =	simm.s32 @!p2 $0x0  }
0x16: {  	s3 =	sld [smem:$0x3FDB];
	s0 =	simm.s32 @p2 $0x1  }
0x17: {  	s4 =	simm.s32 $0x1BF5;
	[smem:$0x3FB7] =	sst s0  }
0x18: {  	s0 =	sld [smem:$0x3F9A];
	_ =	swait.ge [sflag:s4], $0x0  }
0x19: {  	s7 =	sld [smem:$0x3F9B]  }
0x1a: {  	s8 =	sadd.s32 $0xFFFFE003, lr  }
0x1b: {  	s9 =	sadd.s32 $0xFFFFFEF7, lr;
	s5 =	simm.s32 $0xFFFFFFFF;
	p2 =	slt.u32 s8, $0xFFFFF086  }
0x1c: {  	p1 =	slt.u32 s9, $0xF7A;
	s5 =	simm.s32 @!p2 $0x0  }
0x1d: {  	s5 =	simm.s32 @p1 $0x1;
	p0 =	seq.s32 s7, s2  }
0x1e: {  	s7 =	smul.u32 @!p0 $0xF7A, s2;
	p2 =	seq.s32 @!p0 s5, $0x0  }
0x1f: {  	s9 =	smul.u32 $0xF7A, s1;
	s8 =	simm.s32 @!p0 $0x1BF5;
	p2 =	por !p2, p0  }
0x20: {  	[sflag:s8] =	ssyncset.s32 @!p0 $0xFFFFF086;
	s6 =	sadd.s32 @!p0 s3, s7;
	s7 =	simm.s32 @!p0 $0x108  }
0x21: {  	s3 =	sadd.s32 s3, s9;
	s6 =	sadd.s32 @!p0 $0x88, s6;
	s7 =	simm.s32 @p2 $0x1082  }
0x22: {  	[simem:s7], [sflag:s8] =	dma.local @!p0 [hbm:s6], $0xF7A  }
0x23: {  	s9 =	sor.u32 $0xD0000000, s2;
	s6 =	simm.s32 $0x108;
	_ =	swait.ge @!p0 [sflag:s8], $0x0  }
0x24: {  	s3 =	sadd.s32 $0x88, s3;
	s6 =	simm.s32 @!p1 $0x1082;
	[sflag:s4] =	ssyncset.s32 $0xFFFFF086  }
0x25: {  	[simem:s6], [sflag:s4] =	dma.local [hbm:s3], $0xF7A  }
0x26: {  	[smem:$0x3F9B] =	sst s1;
	(tag) =	ssettag s2;
	_ =	strace s9  }
0x27: {  	s1 =	sld [smem:$0x3FAB]  }
0x28: {  	s2 =	sld [smem:$0x3FAC]  }
0x29: {  	s4 =	sld [smem:$0x3FAE]  }
0x2a: {  	p0 =	seq.s32 s5, $0x0;
	s5 =	sld [smem:$0x3FAF]  }
0x2b: {  	s6 =	sld [smem:$0x3FB0]  }
0x2c: {  	s7 =	sld [smem:$0x3FB1]  }
0x2d: {  	s3 =	simm.s32 $0x108;
	s8 =	sld [smem:$0x3FB2]  }
0x2e: {  	s3 =	simm.s32 @!p0 $0x1082;
	s9 =	sld [smem:$0x3FB3]  }
0x2f: {  	lr =	sadd.s32 s0, s3;
	s0 =	sld [smem:$0x3FAA]  }
0x30: {  	s3 =	sld [smem:$0x3FAD]  }
0x31: {  	[smem:$0x3FB6] =	sst s10  }
0x32: {  	s10 =	sld [smem:$0x3FB4];
	_ =	sdelay $0x3  }
0x33: {  	p0 =	seq.s32 s10, $0x1;
	s10 =	sld [smem:$0x3FB6];
	_ =	sdelay $0x3  }
0x34: {  	[smem:$0x3FB6] =	sst s10  }
0x35: {  	s10 =	sld [smem:$0x3FB5];
	_ =	sdelay $0x3  }
0x36: {  	p1 =	seq.s32 s10, $0x1;
	s10 =	sld [smem:$0x3FB6];
	_ =	sdelay $0x3  }
0x37: {  	[smem:$0x3FB6] =	sst s10  }
0x38: {  	s10 =	sld [smem:$0x3FB7]  }
0x39: {  	_ = 	snop;
	(pc) =	sbr.ind lr, $3  }
0x3a: {  	_ = 	snop  }
0x3b: {  	_ = 	snop  }
0x3c: {  	p2 =	seq.s32 s10, $0x1;
	s10 =	sld [smem:$0x3FB6]  }
0x3d: {  	_ =	shalt  }
0x3e: {  	_ =	shalt  }
0x3f: {  	_ =	shalt  }
0x40: {  	_ =	shalt  }
0x41: {  	_ =	shalt  }
0x42: {  	_ =	shalt  }
0x43: {  	_ =	shalt  }
0x44: {  	_ =	shalt  }
0x45: {  	_ =	shalt  }
0x46: {  	_ =	shalt  }
0x47: {  	_ =	shalt  }
0x48: {  	_ =	shalt  }
0x49: {  	_ =	shalt  }
0x4a: {  	_ =	shalt  }
0x4b: {  	_ =	shalt  }
0x4c: {  	_ =	shalt  }
0x4d: {  	_ =	shalt  }
0x4e: {  	_ =	shalt  }
0x4f: {  	_ =	shalt  }
0x50: {  	_ =	shalt  }
0x51: {  	_ =	shalt  }
0x52: {  	_ =	shalt  }
0x53: {  	_ =	shalt  }
0x54: {  	_ =	shalt  }
0x55: {  	_ =	shalt  }
0x56: {  	_ =	shalt  }
0x57: {  	_ =	shalt  }
0x58: {  	_ =	shalt  }
0x59: {  	_ =	shalt  }
0x5a: {  	_ =	shalt  }
0x5b: {  	_ =	shalt  }
0x5c: {  	_ =	shalt  }
0x5d: {  	_ =	shalt  }
0x5e: {  	_ =	shalt  }
0x5f: {  	_ =	shalt  }
0x60: {  	_ =	shalt  }
0x61: {  	_ =	shalt  }
0x62: {  	_ =	shalt  }
0x63: {  	_ =	shalt  }
0x64: {  	_ =	shalt  }
0x65: {  	_ =	shalt  }
0x66: {  	_ =	shalt  }
0x67: {  	_ =	shalt  }
0x68: {  	_ =	shalt  }
0x69: {  	_ =	shalt  }
0x6a: {  	_ =	shalt  }
0x6b: {  	_ =	shalt  }
0x6c: {  	_ =	shalt  }
0x6d: {  	_ =	shalt  }
0x6e: {  	_ =	shalt  }
0x6f: {  	_ =	shalt  }
0x70: {  	_ =	shalt  }
0x71: {  	_ =	shalt  }
0x72: {  	_ =	shalt  }
0x73: {  	_ =	shalt  }
0x74: {  	_ =	shalt  }
0x75: {  	_ =	shalt  }
0x76: {  	_ =	shalt  }
0x77: {  	_ =	shalt  }
0x78: {  	_ =	shalt  }
0x79: {  	_ =	shalt  }
0x7a: {  	_ =	shalt  }
0x7b: {  	_ =	shalt  }
0x7c: {  	_ =	shalt  }
0x7d: {  	_ =	shalt  }
0x7e: {  	_ =	shalt  }
0x7f: {  	_ =	shalt  }
0x80: {  	_ =	shalt  }
0x81: {  	_ =	shalt  }
0x82: {  	_ =	shalt  }
0x83: {  	_ =	shalt  }
0x84: {  	_ =	shalt  }
0x85: {  	_ =	shalt  }
0x86: {  	_ =	shalt  }
0x87: {  	_ =	shalt  }
.Lfunc_end0:
.L_simem_size_0:
called_computation_lowered:
.L_overlay_start_0:
0x88: {  	s2 =	sld [smem:$0x3FD9]  }
0x89: {  	s3 =	sld [smem:$0x3FFE];
	_ =	sdelay $0x1  }
0x8a: {  	s1 =	srdreg.scid  }
0x8b: {  	s0 =	sand.u32 $0x1, s1  }
0x8c: {  	s17 =	sshll.u32 s0, $0xA;
	s2 =	sadd.s32 s3, s2  }
0x8d: {  	s2 =	sadd.s32 s2, s17  }
0x8e: {  	[smem:$0x3FC2] =	sst s2  }
0x8f: {  	_ = 	snop  }
0x90: {  	s2 =	sld [smem:$0x3FC9]  }
0x91: {  	s18 =	sld [smem:$0x3FC8]  }
0x92: {  	s4 =	sld [smem:$0x3FD0];
	(tm) =	ssettm $0x1  }
0x93: {  	s5 =	sld [smem:$0x3FFB];
	_ =	sdelay $0x3  }
0x94: {  	_ =	strace s5  }
0x95: {  	s5 =	sld [smem:$0x3FFC];
	_ =	sdelay $0x3  }
0x96: {  	_ =	strace s5  }
0x97: {  	s5 =	sld [smem:$0x3FFD];
	_ =	sdelay $0x3  }
0x98: {  	_ =	strace s5  }
0x99: {  	_ =	strace $0x8FFFFFFF  }
0x9a: {  	s19 =	sld [smem:$0x3FDB];
	_ =	sdelay $0x1  }
0x9b: {  	s6 =	simm.s32 $_scs_section_size  }
0x9c: {  	s7 =	simm.s32 $_size__tile_overlayer_lowered;
	s8 =	simm.s32 $_tile_overlayer_lowered  }
0x9d: {  	s22 =	simm.s32 $0x1BFF;
	s21 =	sshll.u32 s8, $0x1;
	s5 =	sadd.s32 s6, s19  }
0x9e: {  	s9 =	simm.s32 $0x0;
	s20 =	sshll.u32 s7, $0x1;
	s7 =	sadd.s32 s21, s5  }
0x9f: {  	[timem:s9], [sflag:s22] =	dma.local [hbm:s7], s20  }
0xa0: {  	_ =	swait.ge [sflag:s22], s20  }
0xa1: {  	s6 =	ssub.s32 $0x0, s20;
	[sflag:s22] =	ssyncset.done $0x0  }
0xa2: {  	[sflag:s22] =	ssyncadd.s32 s6;
	_ =	sdelay $0x1  }
0xa3: {  	s23 =	simm.s32 $0x1B8B  }
0xa4: {  	_ =	swait.ge [sflag:s23], $0x1  }
0xa5: {  	[sflag:s23] =	ssyncset.done $0x0  }
0xa6: {  	s25 =	simm.s32 $0x1B8E;
	s24 =	sld [smem:$0x3FFE];
	[sflag:s23] =	ssyncadd.s32 $0xFFFFFFFF  }
0xa7: {  	s26 =	simm.s32 $execute0_lowered;
	[smem:$0x3FD2] =	sst s25  }
0xa8: {  	s7 =	sshll.u32 s26, $0x1;
	_ =	strace $0x80000046;
	[dreg:$0x1] =	wrdreg $0xFFFFFFFF  }
0xa9: {  	s28 =	simm.s32 $_size_execute0_lowered;
	s5 =	sadd.s32 s5, s7;
	[dreg:$0x0] =	wrdreg $0x0  }
0xaa: {  	s7 =	sshll.u32 s28, $0x1;
	[dreg:$0x2] =	wrdreg s5  }
0xab: {  	[dreg:$0x3] =	wrdreg s7  }
0xac: {  	[dreg:$0x4] =	wrdreg $0xC0  }
0xad: {  	_ =	task [dreg:s9], $0x5FFFF  }
0xae: {  	[dreg:$0x1] =	wrdreg $0xFFFFFFFF  }
0xaf: {  	[dreg:$0x0] =	wrdreg $0x60  }
0xb0: {  	[dreg:$0x2] =	wrdreg s2  }
0xb1: {  	[dreg:$0x3] =	wrdreg s18  }
0xb2: {  	[dreg:$0x4] =	wrdreg s24  }
0xb3: {  	[dreg:$0x5] =	wrdreg s4  }
0xb4: {  	[dreg:$0x6] =	wrdreg $0x9  }
0xb5: {  	_ =	task.clear_ibuf [dreg:s9], $0x7FFFF;
	_ =	strace $0x90000046  }
0xb6: {  	s29 =	simm.s32 $0x9;
	_ =	strace $0x80000048  }
0xb7: {  	_ =	swait.ge [sflag:s29], $0x1  }
0xb8: {  	[sflag:s29] =	ssyncadd.s32 $0xFFFFFFFF  }
0xb9: {  	_ =	strace $0x90000048  }
0xba: {  	_ =	sfence  }
0xbb: {  	s30 =	sld [smem:$0x0];
	_ =	sdelay $0x2  }
0xbc: {  	s31 =	sshll.u32 s1, $0xD;
	s1 =	sshrl.u32 s1, $0x2  }
0xbd: {  	s3 =	sand.u32 $0x4000, s31;
	s1 =	sadd.s32 s1, s30  }
0xbe: {  	s0 =	sor.u32 s3, s0;
	s1 =	sshll.u32 s1, $0x11  }
0xbf: {  	s0 =	sor.u32 s1, s0  }
0xc0: {  	s0 =	sadd.s32 $0x8F2B, s0  }
0xc1: {  	[sflag:s0] =	ssyncadd.remote.s32 $0x1  }
0xc2: {  	_ =	sfence.sel $0xFFFF  }
0xc3: {  	[dreg:$0x0] =	wrdreg $0xFFFFFFFF;
	(pc) =	sbr.abs _section_cstart, $3  }
0xc4: {  	[dreg:$0x1] =	wrdreg $0xFFFFFFFF  }
0xc5: {  	_ =	task.clear_ibuf [dreg:s9], $0x2FFFF;
	_ =	strace $0x9FFFFFFF  }
0xc6: {  	(tm) =	ssettm $0x7FFFFFFF  }
0xc7: {  	_ =	shalt  }
tec
execute0_lowered:
.L_overlay_start_1:
0x0: {  	(tag) =	ssettag $0x1  }
0x1: {  	s0 =	rddreg [dreg:$0x0]  }
0x2: {  	s2 =	rddreg [dreg:$0x1]  }
0x3: {  	s6 =	rddreg [dreg:$0x2]  }
0x4: {  	s9 =	rddreg [dreg:$0x3];
	s1 =	simm.s32 $0x0  }
0x5: {  	s5 =	srdreg.scid;
	s8 =	stileid.u32;
	s12 =	simm.s32 $0x200  }
0x6: {  	s14 =	simm.s32 $0x8410;
	s15 =	simm.s32 $0x80;
	s16 =	simm.s32 $0x400  }
0x7: {  	s17 =	simm.s32 $0x4400;
	s18 =	simm.s32 $0x1400;
	s19 =	simm.s32 $0x280  }
0x8: {  	s20 =	simm.s32 $0x5400;
	s21 =	simm.s32 $0x100;
	s22 =	simm.s32 $0x2400  }
0x9: {  	s23 =	simm.s32 $0x300;
	s24 =	simm.s32 $0x6400;
	s25 =	simm.s32 $0x180  }
0xa: {  	s26 =	simm.s32 $0x3400;
	s28 =	simm.s32 $0x380;
	s29 =	simm.s32 $0x7400  }
0xb: {  	s30 =	simm.s32 $0x1;
	s31 =	simm.s32 $0x8420;
	[smem:$0x7FF] =	sst s1  }
0xc: {  	s3 =	sadd.s32 $0xF42A00, s6;
	s4 =	sadd.s32 $0x187000, s6;
	s5 =	sand.u32 $0x1, s5  }
0xd: {  	s8 =	sshll.u32 s8, $0x7;
	_ =	strace $0x80000047;
	s7 =	ssub.s32 $0x2, s5  }
0xe: {  	s10 =	sshll.u32 s5, $0x6;
	s5 =	sadd.s32 $0x600, s6;
	s11 =	sshrl.u32 s7, $0x1  }
0xf: {  	v0 =	vlaneseq.u32;
	s6 =	sadd.s32 $0x800, s6;
	s10 =	sor.u32 s10, s8;
	s11 =	ssub.s32 s7, s11  }
0x10: {  	v0 =	vmul.u32 $0x20, v0;
	s7 =	sadd.s32 s0, s10;
	s8 =	sadd.s32 s2, s10;
	s9 =	sadd.s32 s9, s10  }
0x11: {  	s0 =	simm.s32 $0x0;
	s10 =	smax.u32 s11, $0x1;
	s11 =	simm.s32 $0x2  }
.LBB2_1:
0x12: {  	[tilespmem:s1], [sflag:$0x2] =	stream.linear.gather [hbm4b:s7+s1], $0x200, $0x38;
	[tilespmem:$0x8620] =	vst v63  }
0x13: {  	_ =	swait.ge [sflag:s11], $0x200  }
0x14: {  	[sflag:s11] =	ssyncset.done $0x0  }
0x15: {  	[sflag:s11] =	ssyncadd.s32 $0xFFFFFE00  }
0x16: {  	[tilespmem:s12], [sflag:$0x2] =	stream.linear.gather [hbm4b:s8+s1], $0x200, $0x38;
	[tilespmem:$0x8620] =	vst v63  }
0x17: {  	_ =	swait.ge [sflag:s11], $0x200  }
0x18: {  	[sflag:s11] =	ssyncset.done $0x0  }
0x19: {  	s2 =	simm.s32 $0x8400;
	[sflag:s11] =	ssyncadd.s32 $0xFFFFFE00  }
0x1a: {  	[tilespmem:s2], [sflag:$0x2] =	stream.linear.gather [hbm4b:s5+s1], $0x10, $0x38;
	[tilespmem:$0x8620] =	vst v63  }
0x1b: {  	_ =	swait.ge [sflag:s11], $0x10  }
0x1c: {  	[sflag:s11] =	ssyncset.done $0x0  }
0x1d: {  	[sflag:s11] =	ssyncadd.s32 $0xFFFFFFF0  }
0x1e: {  	[tilespmem:s14], [sflag:$0x2] =	stream.linear.gather [hbm4b:s6+s1], $0x10, $0x38;
	[tilespmem:$0x8620] =	vst v63  }
0x1f: {  	_ =	swait.ge [sflag:s11], $0x10  }
0x20: {  	[sflag:s11] =	ssyncset.done $0x0  }
0x21: {  	[sflag:s11] =	ssyncadd.s32 $0xFFFFFFF0  }
0x22: {  	[tilespmem:s16], [sflag:$0x1] =	stream.indirect.gather [hbm4b:s3+s15], $0x20, s1, s15, $0xb8;
	[tilespmem:$0x8620] =	vst v63  }
0x23: {  	_ = 	snop  }
0x24: {  	[tilespmem:s17], [sflag:$0x1] =	stream.indirect.gather [hbm4b:s4+s15], $0x20, s12, s15, $0xb8;
	[tilespmem:$0x8620] =	vst v63  }
0x25: {  	_ = 	snop  }
0x26: {  	[tilespmem:s18], [sflag:$0x1] =	stream.indirect.gather [hbm4b:s3+s15], $0x20, s15, s15, $0xb8;
	[tilespmem:$0x8620] =	vst v63  }
0x27: {  	_ = 	snop  }
0x28: {  	[tilespmem:s20], [sflag:$0x1] =	stream.indirect.gather [hbm4b:s4+s15], $0x20, s19, s15, $0xb8;
	[tilespmem:$0x8620] =	vst v63  }
0x29: {  	_ = 	snop  }
0x2a: {  	[tilespmem:s22], [sflag:$0x1] =	stream.indirect.gather [hbm4b:s3+s15], $0x20, s21, s15, $0xb8;
	[tilespmem:$0x8620] =	vst v63  }
0x2b: {  	_ = 	snop  }
0x2c: {  	[tilespmem:s24], [sflag:$0x1] =	stream.indirect.gather [hbm4b:s4+s15], $0x20, s23, s15, $0xb8;
	[tilespmem:$0x8620] =	vst v63  }
0x2d: {  	_ = 	snop  }
0x2e: {  	[tilespmem:s26], [sflag:$0x1] =	stream.indirect.gather [hbm4b:s3+s15], $0x20, s25, s15, $0xb8;
	[tilespmem:$0x8620] =	vst v63  }
0x2f: {  	_ = 	snop  }
0x30: {  	[tilespmem:s29], [sflag:$0x1] =	stream.indirect.gather [hbm4b:s4+s15], $0x20, s28, s15, $0xb8;
	[tilespmem:$0x8620] =	vst v63  }
0x31: {  	_ =	swait.ge [sflag:s30], $0x1000  }
0x32: {  	[sflag:s30] =	ssyncset.done $0x0  }
0x33: {  	[sflag:s30] =	ssyncadd.s32 $0xFFFFF000  }
0x34: {  	_ =	swait.ge [sflag:s30], $0x1000  }
0x35: {  	[sflag:s30] =	ssyncset.done $0x0  }
0x36: {  	[sflag:s30] =	ssyncadd.s32 $0xFFFFF000  }
0x37: {  	_ =	swait.ge [sflag:s30], $0x1000  }
0x38: {  	[sflag:s30] =	ssyncset.done $0x0  }
0x39: {  	[sflag:s30] =	ssyncadd.s32 $0xFFFFF000  }
0x3a: {  	_ =	swait.ge [sflag:s30], $0x1000  }
0x3b: {  	[sflag:s30] =	ssyncset.done $0x0  }
0x3c: {  	[sflag:s30] =	ssyncadd.s32 $0xFFFFF000  }
0x3d: {  	_ =	swait.ge [sflag:s30], $0x1000  }
0x3e: {  	[sflag:s30] =	ssyncset.done $0x0  }
0x3f: {  	[sflag:s30] =	ssyncadd.s32 $0xFFFFF000  }
0x40: {  	_ =	swait.ge [sflag:s30], $0x1000  }
0x41: {  	[sflag:s30] =	ssyncset.done $0x0  }
0x42: {  	v1 =	vmov s1;
	[sflag:s30] =	ssyncadd.s32 $0xFFFFF000  }
0x43: {  	v1 =	vshll.u32 v1, $0x5;
	_ =	swait.ge [sflag:s30], $0x1000  }
0x44: {  	v1 =	vor.u32 v0, v1;
	[sflag:s30] =	ssyncset.done $0x0  }
0x45: {  	[sflag:s30] =	ssyncadd.s32 $0xFFFFF000  }
0x46: {  	v2 =	vor.u32 $0x1, v1;
	_ =	swait.ge [sflag:s30], $0x1000  }
0x47: {  	[sflag:s30] =	ssyncset.done $0x0  }
0x48: {  	v3 =	vor.u32 $0x2, v1;
	[sflag:s30] =	ssyncadd.s32 $0xFFFFF000  }
0x49: {  	v4 =	vld.idx.msk [tilespmem:v1+s17+$0x0], $0xffff  }
0x4a: {  	v6 =	vor.u32 $0x3, v1;
	v5 =	vld.idx.msk [tilespmem:v1+s16+$0x0], $0xffff  }
0x4b: {  	v7 =	vld.idx.msk [tilespmem:v2+s16+$0x0], $0xffff  }
0x4c: {  	v8 =	vor.u32 $0x4, v1;
	v2 =	vld.idx.msk [tilespmem:v2+s17+$0x0], $0xffff  }
0x4d: {  	v9 =	vld.idx.msk [tilespmem:v3+s16+$0x0], $0xffff  }
0x4e: {  	v10 =	vor.u32 $0x5, v1;
	v3 =	vld.idx.msk [tilespmem:v3+s17+$0x0], $0xffff  }
0x4f: {  	v11 =	vld.idx.msk [tilespmem:v6+s16+$0x0], $0xffff;
	v4 =	vmul.f32 v4, v5  }
0x50: {  	v59 =	vor.u32 $0x6, v1;
	v5 =	vld.idx.msk [tilespmem:v6+s17+$0x0], $0xffff  }
0x51: {  	v12 =	vld.idx.msk [tilespmem:v8+s16+$0x0], $0xffff;
	v2 =	vmul.f32 v2, v7;
	v4 =	vadd.f32 $0.0e+00, v4  }
0x52: {  	v61 =	vor.u32 $0x7, v1;
	v60 =	vld.idx.msk [tilespmem:v8+s17+$0x0], $0xffff  }
0x53: {  	v13 =	vld.idx.msk [tilespmem:v10+s16+$0x0], $0xffff;
	v3 =	vmul.f32 v3, v9;
	v2 =	vadd.f32 v2, v4  }
0x54: {  	v62 =	vor.u32 $0x8, v1;
	v4 =	vld.idx.msk [tilespmem:v10+s17+$0x0], $0xffff  }
0x55: {  	v63 =	vld.idx.msk [tilespmem:v59+s16+$0x0], $0xffff;
	v2 =	vadd.f32 v3, v2;
	v3 =	vmul.f32 v5, v11  }
0x56: {  	v16 =	vor.u32 $0x9, v1;
	v5 =	vld.idx.msk [tilespmem:v59+s17+$0x0], $0xffff  }
0x57: {  	v17 =	vld.idx.msk [tilespmem:v61+s16+$0x0], $0xffff;
	v2 =	vadd.f32 v3, v2;
	v3 =	vmul.f32 v60, v12  }
0x58: {  	v19 =	vor.u32 $0xA, v1;
	v18 =	vld.idx.msk [tilespmem:v61+s17+$0x0], $0xffff  }
0x59: {  	v20 =	vld.idx.msk [tilespmem:v62+s16+$0x0], $0xffff;
	v2 =	vadd.f32 v3, v2;
	v3 =	vmul.f32 v4, v13  }
0x5a: {  	v21 =	vor.u32 $0xB, v1;
	v4 =	vld.idx.msk [tilespmem:v62+s17+$0x0], $0xffff  }
0x5b: {  	v22 =	vld.idx.msk [tilespmem:v16+s16+$0x0], $0xffff;
	v2 =	vadd.f32 v3, v2;
	v3 =	vmul.f32 v5, v63  }
0x5c: {  	v23 =	vor.u32 $0xC, v1;
	v5 =	vld.idx.msk [tilespmem:v16+s17+$0x0], $0xffff  }
0x5d: {  	v24 =	vld.idx.msk [tilespmem:v19+s16+$0x0], $0xffff;
	v2 =	vadd.f32 v3, v2;
	v3 =	vmul.f32 v18, v17  }
0x5e: {  	v26 =	vor.u32 $0xD, v1;
	v25 =	vld.idx.msk [tilespmem:v19+s17+$0x0], $0xffff  }
0x5f: {  	v27 =	vld.idx.msk [tilespmem:v21+s16+$0x0], $0xffff;
	v2 =	vadd.f32 v3, v2;
	v3 =	vmul.f32 v4, v20  }
0x60: {  	v28 =	vor.u32 $0xE, v1;
	v4 =	vld.idx.msk [tilespmem:v21+s17+$0x0], $0xffff  }
0x61: {  	v29 =	vld.idx.msk [tilespmem:v23+s16+$0x0], $0xffff;
	v2 =	vadd.f32 v3, v2;
	v3 =	vmul.f32 v5, v22  }
0x62: {  	v30 =	vor.u32 $0xF, v1;
	v5 =	vld.idx.msk [tilespmem:v23+s17+$0x0], $0xffff  }
0x63: {  	v31 =	vld.idx.msk [tilespmem:v26+s16+$0x0], $0xffff;
	v2 =	vadd.f32 v3, v2;
	v3 =	vmul.f32 v25, v24  }
0x64: {  	v33 =	vor.u32 $0x10, v1;
	v32 =	vld.idx.msk [tilespmem:v26+s17+$0x0], $0xffff  }
0x65: {  	v34 =	vld.idx.msk [tilespmem:v28+s16+$0x0], $0xffff;
	v2 =	vadd.f32 v3, v2;
	v3 =	vmul.f32 v4, v27  }
0x66: {  	v35 =	vor.u32 $0x11, v1;
	v4 =	vld.idx.msk [tilespmem:v28+s17+$0x0], $0xffff  }
0x67: {  	v36 =	vld.idx.msk [tilespmem:v30+s16+$0x0], $0xffff;
	v2 =	vadd.f32 v3, v2;
	v3 =	vmul.f32 v5, v29  }
0x68: {  	v37 =	vor.u32 $0x12, v1;
	v5 =	vld.idx.msk [tilespmem:v30+s17+$0x0], $0xffff  }
0x69: {  	v38 =	vld.idx.msk [tilespmem:v33+s16+$0x0], $0xffff;
	v2 =	vadd.f32 v3, v2;
	v3 =	vmul.f32 v32, v31  }
0x6a: {  	v40 =	vor.u32 $0x13, v1;
	v39 =	vld.idx.msk [tilespmem:v33+s17+$0x0], $0xffff  }
0x6b: {  	v41 =	vld.idx.msk [tilespmem:v35+s16+$0x0], $0xffff;
	v2 =	vadd.f32 v3, v2;
	v3 =	vmul.f32 v4, v34  }
0x6c: {  	v42 =	vor.u32 $0x14, v1;
	v4 =	vld.idx.msk [tilespmem:v35+s17+$0x0], $0xffff  }
0x6d: {  	v43 =	vld.idx.msk [tilespmem:v37+s16+$0x0], $0xffff;
	v2 =	vadd.f32 v3, v2;
	v3 =	vmul.f32 v5, v36  }
0x6e: {  	v44 =	vor.u32 $0x15, v1;
	v5 =	vld.idx.msk [tilespmem:v37+s17+$0x0], $0xffff  }
0x6f: {  	v45 =	vld.idx.msk [tilespmem:v40+s16+$0x0], $0xffff;
	v2 =	vadd.f32 v3, v2;
	v3 =	vmul.f32 v39, v38  }
0x70: {  	v47 =	vor.u32 $0x16, v1;
	v46 =	vld.idx.msk [tilespmem:v40+s17+$0x0], $0xffff  }
0x71: {  	v48 =	vld.idx.msk [tilespmem:v42+s16+$0x0], $0xffff;
	v2 =	vadd.f32 v3, v2;
	v3 =	vmul.f32 v4, v41  }
0x72: {  	v49 =	vor.u32 $0x17, v1;
	v4 =	vld.idx.msk [tilespmem:v42+s17+$0x0], $0xffff  }
0x73: {  	v50 =	vld.idx.msk [tilespmem:v44+s16+$0x0], $0xffff;
	v2 =	vadd.f32 v3, v2;
	v3 =	vmul.f32 v5, v43  }
0x74: {  	v51 =	vor.u32 $0x18, v1;
	v5 =	vld.idx.msk [tilespmem:v44+s17+$0x0], $0xffff  }
0x75: {  	v52 =	vld.idx.msk [tilespmem:v47+s16+$0x0], $0xffff;
	v2 =	vadd.f32 v3, v2;
	v3 =	vmul.f32 v46, v45  }
0x76: {  	v54 =	vor.u32 $0x19, v1;
	v53 =	vld.idx.msk [tilespmem:v47+s17+$0x0], $0xffff  }
0x77: {  	v55 =	vld.idx.msk [tilespmem:v49+s16+$0x0], $0xffff;
	v2 =	vadd.f32 v3, v2;
	v3 =	vmul.f32 v4, v48  }
0x78: {  	v56 =	vor.u32 $0x1A, v1;
	v4 =	vld.idx.msk [tilespmem:v49+s17+$0x0], $0xffff  }
0x79: {  	v57 =	vld.idx.msk [tilespmem:v51+s16+$0x0], $0xffff;
	v2 =	vadd.f32 v3, v2;
	v3 =	vmul.f32 v5, v50  }
0x7a: {  	v58 =	vor.u32 $0x1B, v1;
	v5 =	vld.idx.msk [tilespmem:v51+s17+$0x0], $0xffff  }
0x7b: {  	v59 =	vld.idx.msk [tilespmem:v54+s16+$0x0], $0xffff;
	v2 =	vadd.f32 v3, v2;
	v3 =	vmul.f32 v53, v52  }
0x7c: {  	v61 =	vor.u32 $0x1C, v1;
	v60 =	vld.idx.msk [tilespmem:v54+s17+$0x0], $0xffff  }
0x7d: {  	v62 =	vld.idx.msk [tilespmem:v56+s16+$0x0], $0xffff;
	v2 =	vadd.f32 v3, v2;
	v3 =	vmul.f32 v4, v55  }
0x7e: {  	v63 =	vor.u32 $0x1D, v1;
	v4 =	vld.idx.msk [tilespmem:v56+s17+$0x0], $0xffff  }
0x7f: {  	v16 =	vld.idx.msk [tilespmem:v58+s16+$0x0], $0xffff;
	v2 =	vadd.f32 v3, v2;
	v3 =	vmul.f32 v5, v57  }
0x80: {  	v17 =	vor.u32 $0x1E, v1;
	v5 =	vld.idx.msk [tilespmem:v58+s17+$0x0], $0xffff  }
0x81: {  	v19 =	vld.idx.msk [tilespmem:v61+s17+$0x0], $0xffff;
	v2 =	vadd.f32 v3, v2;
	v3 =	vmul.f32 v60, v59  }
0x82: {  	v18 =	vld.idx.msk [tilespmem:v61+s16+$0x0], $0xffff;
	v1 =	vor.u32 $0x1F, v1  }
0x83: {  	v20 =	vld.idx.msk [tilespmem:v63+s16+$0x0], $0xffff;
	v2 =	vadd.f32 v3, v2;
	v3 =	vmul.f32 v4, v62  }
0x84: {  	v4 =	vld.idx.msk [tilespmem:v63+s17+$0x0], $0xffff  }
0x85: {  	v21 =	vld.idx.msk [tilespmem:v17+s16+$0x0], $0xffff;
	v2 =	vadd.f32 v3, v2;
	v3 =	vmul.f32 v5, v16  }
0x86: {  	v5 =	vld.idx.msk [tilespmem:v17+s17+$0x0], $0xffff  }
0x87: {  	v22 =	vld.idx.msk [tilespmem:v1+s16+$0x0], $0xffff;
	v2 =	vadd.f32 v3, v2;
	v3 =	vmul.f32 v19, v18  }
0x88: {  	v1 =	vld.idx.msk [tilespmem:v1+s17+$0x0], $0xffff  }
0x89: {  	v2 =	vadd.f32 v3, v2;
	v3 =	vmul.f32 v4, v20;
	_ =	sdelay $0x1  }
0x8a: {  	v2 =	vadd.f32 v3, v2;
	v3 =	vmul.f32 v5, v21;
	_ =	sdelay $0x1  }
0x8b: {  	v1 =	vmul.f32 v1, v22;
	v2 =	vadd.f32 v3, v2;
	_ =	sdelay $0x1  }
0x8c: {  	v1 =	vadd.f32 v1, v2;
	_ =	sdelay $0x1  }
0x8d: {  	v1 =	vsub.f32 $0.0e+00, v1;
	_ =	sdelay $0x1  }
0x8e: {  	v1 =	vmul.f32 $1.442695020e+00, v1;
	_ =	sdelay $0x1  }
0x8f: {  	(erf) = vpow2.f32 v1;
	_ =	sdelay $0x8  }
0x90: {  	v1 =	vpop (erf)  }
0x91: {  	v1 =	vadd.f32 $1.000000000e+00, v1;
	_ =	sdelay $0x1  }
0x92: {  	(erf) = vrcp.f32 v1;
	_ =	sdelay $0x4  }
0x93: {  	v1 =	vld [tilespmem:$0x8400];
	_ =	sdelay $0x1  }
0x94: {  	v2 =	vld [tilespmem:$0x8410];
	_ =	sdelay $0x1  }
0x95: {  	v3 =	vpop (erf)  }
0x96: {  	v3 =	vmul.f32 v3, v1;
	_ =	sdelay $0x1  }
0x97: {  	v3 =	vadd.f32 v3, v2;
	_ =	sdelay $0x1  }
0x98: {  	v3 =	vsub.f32 $0.0e+00, v3;
	_ =	sdelay $0x1  }
0x99: {  	v3 =	vmul.f32 $1.442695020e+00, v3;
	_ =	sdelay $0x1  }
0x9a: {  	(erf) = vpow2.f32 v3;
	_ =	sdelay $0x8  }
0x9b: {  	v3 =	vpop (erf)  }
0x9c: {  	v3 =	vadd.f32 $1.000000000e+00, v3;
	_ =	sdelay $0x1  }
0x9d: {  	(erf) = vrcp.f32 v3;
	_ =	sdelay $0x2  }
0x9e: {  	s13 =	simm.s32 $0x10  }
0x9f: {  	v3 =	vmov s13  }
0xa0: {  	v3 =	vshll.u32 v3, $0x5  }
0xa1: {  	v3 =	vor.u32 v0, v3;
	_ =	sdelay $0x1  }
0xa2: {  	v4 =	vor.u32 $0x1, v3  }
0xa3: {  	v5 =	vpop (erf)  }
0xa4: {  	v23 =	vor.u32 $0x2, v3;
	[tilespmem:s31+$0x0] =	vst v5  }
0xa5: {  	v5 =	vld.idx.msk [tilespmem:v3+s17+$0x0], $0xffff  }
0xa6: {  	v25 =	vor.u32 $0x3, v3;
	v24 =	vld.idx.msk [tilespmem:v3+s16+$0x0], $0xffff  }
0xa7: {  	v26 =	vld.idx.msk [tilespmem:v4+s16+$0x0], $0xffff  }
0xa8: {  	v27 =	vor.u32 $0x4, v3;
	v4 =	vld.idx.msk [tilespmem:v4+s17+$0x0], $0xffff  }
0xa9: {  	v28 =	vld.idx.msk [tilespmem:v23+s16+$0x0], $0xffff  }
0xaa: {  	v29 =	vor.u32 $0x5, v3;
	v6 =	vld.idx.msk [tilespmem:v23+s17+$0x0], $0xffff  }
0xab: {  	v30 =	vld.idx.msk [tilespmem:v25+s16+$0x0], $0xffff;
	v5 =	vmul.f32 v5, v24  }
0xac: {  	v32 =	vor.u32 $0x6, v3;
	v31 =	vld.idx.msk [tilespmem:v25+s17+$0x0], $0xffff  }
0xad: {  	v14 =	vld.idx.msk [tilespmem:v27+s16+$0x0], $0xffff;
	v4 =	vmul.f32 v4, v26;
	v5 =	vadd.f32 $0.0e+00, v5  }
0xae: {  	v34 =	vor.u32 $0x7, v3;
	v33 =	vld.idx.msk [tilespmem:v27+s17+$0x0], $0xffff  }
0xaf: {  	v15 =	vld.idx.msk [tilespmem:v29+s16+$0x0], $0xffff;
	v4 =	vadd.f32 v4, v5;
	v5 =	vmul.f32 v6, v28  }
0xb0: {  	v36 =	vor.u32 $0x8, v3;
	v35 =	vld.idx.msk [tilespmem:v29+s17+$0x0], $0xffff  }
0xb1: {  	v37 =	vld.idx.msk [tilespmem:v32+s16+$0x0], $0xffff;
	v4 =	vadd.f32 v5, v4;
	v5 =	vmul.f32 v31, v30  }
0xb2: {  	v39 =	vor.u32 $0x9, v3;
	v38 =	vld.idx.msk [tilespmem:v32+s17+$0x0], $0xffff  }
0xb3: {  	v40 =	vld.idx.msk [tilespmem:v34+s16+$0x0], $0xffff;
	v4 =	vadd.f32 v5, v4;
	v5 =	vmul.f32 v33, v14  }
0xb4: {  	v42 =	vor.u32 $0xA, v3;
	v41 =	vld.idx.msk [tilespmem:v34+s17+$0x0], $0xffff  }
0xb5: {  	v43 =	vld.idx.msk [tilespmem:v36+s16+$0x0], $0xffff;
	v4 =	vadd.f32 v5, v4;
	v5 =	vmul.f32 v35, v15  }
0xb6: {  	v45 =	vor.u32 $0xB, v3;
	v44 =	vld.idx.msk [tilespmem:v36+s17+$0x0], $0xffff  }
0xb7: {  	v46 =	vld.idx.msk [tilespmem:v39+s16+$0x0], $0xffff;
	v4 =	vadd.f32 v5, v4;
	v5 =	vmul.f32 v38, v37  }
0xb8: {  	v48 =	vor.u32 $0xC, v3;
	v47 =	vld.idx.msk [tilespmem:v39+s17+$0x0], $0xffff  }
0xb9: {  	v49 =	vld.idx.msk [tilespmem:v42+s16+$0x0], $0xffff;
	v4 =	vadd.f32 v5, v4;
	v5 =	vmul.f32 v41, v40  }
0xba: {  	v51 =	vor.u32 $0xD, v3;
	v50 =	vld.idx.msk [tilespmem:v42+s17+$0x0], $0xffff  }
0xbb: {  	v52 =	vld.idx.msk [tilespmem:v45+s16+$0x0], $0xffff;
	v4 =	vadd.f32 v5, v4;
	v5 =	vmul.f32 v44, v43  }
0xbc: {  	v54 =	vor.u32 $0xE, v3;
	v53 =	vld.idx.msk [tilespmem:v45+s17+$0x0], $0xffff  }
0xbd: {  	v55 =	vld.idx.msk [tilespmem:v48+s16+$0x0], $0xffff;
	v4 =	vadd.f32 v5, v4;
	v5 =	vmul.f32 v47, v46  }
0xbe: {  	v57 =	vor.u32 $0xF, v3;
	v56 =	vld.idx.msk [tilespmem:v48+s17+$0x0], $0xffff  }
0xbf: {  	v58 =	vld.idx.msk [tilespmem:v51+s16+$0x0], $0xffff;
	v4 =	vadd.f32 v5, v4;
	v5 =	vmul.f32 v50, v49  }
0xc0: {  	v60 =	vor.u32 $0x10, v3;
	v59 =	vld.idx.msk [tilespmem:v51+s17+$0x0], $0xffff  }
0xc1: {  	v61 =	vld.idx.msk [tilespmem:v54+s16+$0x0], $0xffff;
	v4 =	vadd.f32 v5, v4;
	v5 =	vmul.f32 v53, v52  }
0xc2: {  	v63 =	vor.u32 $0x11, v3;
	v62 =	vld.idx.msk [tilespmem:v54+s17+$0x0], $0xffff  }
0xc3: {  	v18 =	vld.idx.msk [tilespmem:v57+s16+$0x0], $0xffff;
	v4 =	vadd.f32 v5, v4;
	v5 =	vmul.f32 v56, v55  }
0xc4: {  	v20 =	vor.u32 $0x12, v3;
	v19 =	vld.idx.msk [tilespmem:v57+s17+$0x0], $0xffff  }
0xc5: {  	v21 =	vld.idx.msk [tilespmem:v60+s16+$0x0], $0xffff;
	v4 =	vadd.f32 v5, v4;
	v5 =	vmul.f32 v59, v58  }
0xc6: {  	v22 =	vld.idx.msk [tilespmem:v60+s17+$0x0], $0xffff;
	v23 =	vor.u32 $0x13, v3  }
0xc7: {  	v25 =	vld.idx.msk [tilespmem:v63+s17+$0x0], $0xffff;
	v4 =	vadd.f32 v5, v4;
	v5 =	vmul.f32 v62, v61  }
0xc8: {  	v24 =	vld.idx.msk [tilespmem:v63+s16+$0x0], $0xffff;
	v26 =	vor.u32 $0x14, v3  }
0xc9: {  	v27 =	vld.idx.msk [tilespmem:v20+s16+$0x0], $0xffff;
	v4 =	vadd.f32 v5, v4;
	v5 =	vmul.f32 v19, v18  }
0xca: {  	v29 =	vor.u32 $0x15, v3;
	v28 =	vld.idx.msk [tilespmem:v20+s17+$0x0], $0xffff  }
0xcb: {  	v30 =	vld.idx.msk [tilespmem:v23+s16+$0x0], $0xffff;
	v4 =	vadd.f32 v5, v4;
	v5 =	vmul.f32 v22, v21  }
0xcc: {  	v32 =	vor.u32 $0x16, v3;
	v31 =	vld.idx.msk [tilespmem:v23+s17+$0x0], $0xffff  }
0xcd: {  	v34 =	vld.idx.msk [tilespmem:v26+s17+$0x0], $0xffff;
	v4 =	vadd.f32 v5, v4;
	v5 =	vmul.f32 v25, v24  }
0xce: {  	v33 =	vld.idx.msk [tilespmem:v26+s16+$0x0], $0xffff;
	v35 =	vor.u32 $0x17, v3  }
0xcf: {  	v36 =	vld.idx.msk [tilespmem:v29+s16+$0x0], $0xffff;
	v4 =	vadd.f32 v5, v4;
	v5 =	vmul.f32 v28, v27  }
0xd0: {  	v37 =	vld.idx.msk [tilespmem:v29+s17+$0x0], $0xffff;
	v38 =	vor.u32 $0x18, v3  }
0xd1: {  	v39 =	vld.idx.msk [tilespmem:v32+s16+$0x0], $0xffff;
	v4 =	vadd.f32 v5, v4;
	v5 =	vmul.f32 v31, v30  }
0xd2: {  	v40 =	vld.idx.msk [tilespmem:v32+s17+$0x0], $0xffff;
	v41 =	vor.u32 $0x19, v3  }
0xd3: {  	v42 =	vld.idx.msk [tilespmem:v35+s16+$0x0], $0xffff;
	v4 =	vadd.f32 v5, v4;
	v5 =	vmul.f32 v34, v33  }
0xd4: {  	v43 =	vld.idx.msk [tilespmem:v35+s17+$0x0], $0xffff;
	v44 =	vor.u32 $0x1A, v3  }
0xd5: {  	v45 =	vld.idx.msk [tilespmem:v38+s16+$0x0], $0xffff;
	v4 =	vadd.f32 v5, v4;
	v5 =	vmul.f32 v37, v36  }
0xd6: {  	v46 =	vld.idx.msk [tilespmem:v38+s17+$0x0], $0xffff;
	v47 =	vor.u32 $0x1B, v3  }
0xd7: {  	v48 =	vld.idx.msk [tilespmem:v41+s16+$0x0], $0xffff;
	v4 =	vadd.f32 v5, v4;
	v5 =	vmul.f32 v40, v39  }
0xd8: {  	v49 =	vld.idx.msk [tilespmem:v41+s17+$0x0], $0xffff;
	v50 =	vor.u32 $0x1C, v3  }
0xd9: {  	v51 =	vld.idx.msk [tilespmem:v44+s16+$0x0], $0xffff;
	v4 =	vadd.f32 v5, v4;
	v5 =	vmul.f32 v43, v42  }
0xda: {  	v52 =	vld.idx.msk [tilespmem:v44+s17+$0x0], $0xffff;
	v53 =	vor.u32 $0x1D, v3  }
0xdb: {  	v54 =	vld.idx.msk [tilespmem:v47+s16+$0x0], $0xffff;
	v4 =	vadd.f32 v5, v4;
	v5 =	vmul.f32 v46, v45  }
0xdc: {  	v55 =	vld.idx.msk [tilespmem:v47+s17+$0x0], $0xffff;
	v56 =	vor.u32 $0x1E, v3  }
0xdd: {  	v57 =	vld.idx.msk [tilespmem:v50+s16+$0x0], $0xffff;
	v4 =	vadd.f32 v5, v4;
	v5 =	vmul.f32 v49, v48  }
0xde: {  	v3 =	vor.u32 $0x1F, v3;
	v58 =	vld.idx.msk [tilespmem:v50+s17+$0x0], $0xffff  }
0xdf: {  	v59 =	vld.idx.msk [tilespmem:v53+s16+$0x0], $0xffff;
	v4 =	vadd.f32 v5, v4;
	v5 =	vmul.f32 v52, v51  }
0xe0: {  	v60 =	vld.idx.msk [tilespmem:v53+s17+$0x0], $0xffff  }
0xe1: {  	v61 =	vld.idx.msk [tilespmem:v56+s16+$0x0], $0xffff;
	v4 =	vadd.f32 v5, v4;
	v5 =	vmul.f32 v55, v54  }
0xe2: {  	v62 =	vld.idx.msk [tilespmem:v56+s17+$0x0], $0xffff  }
0xe3: {  	v63 =	vld.idx.msk [tilespmem:v3+s16+$0x0], $0xffff;
	v4 =	vadd.f32 v5, v4;
	v5 =	vmul.f32 v58, v57  }
0xe4: {  	v3 =	vld.idx.msk [tilespmem:v3+s17+$0x0], $0xffff  }
0xe5: {  	v4 =	vadd.f32 v5, v4;
	v5 =	vmul.f32 v60, v59;
	_ =	sdelay $0x1  }
0xe6: {  	v4 =	vadd.f32 v5, v4;
	v5 =	vmul.f32 v62, v61;
	_ =	sdelay $0x1  }
0xe7: {  	v3 =	vmul.f32 v3, v63;
	v4 =	vadd.f32 v5, v4;
	_ =	sdelay $0x1  }
0xe8: {  	v3 =	vadd.f32 v3, v4;
	_ =	sdelay $0x1  }
0xe9: {  	v3 =	vsub.f32 $0.0e+00, v3;
	_ =	sdelay $0x1  }
0xea: {  	v3 =	vmul.f32 $1.442695020e+00, v3;
	_ =	sdelay $0x1  }
0xeb: {  	(erf) = vpow2.f32 v3;
	_ =	sdelay $0x8  }
0xec: {  	v3 =	vpop (erf)  }
0xed: {  	v3 =	vadd.f32 $1.000000000e+00, v3;
	_ =	sdelay $0x1  }
0xee: {  	(erf) = vrcp.f32 v3;
	_ =	sdelay $0x8  }
0xef: {  	v3 =	vpop (erf)  }
0xf0: {  	v3 =	vmul.f32 v3, v1;
	_ =	sdelay $0x1  }
0xf1: {  	v3 =	vadd.f32 v3, v2;
	_ =	sdelay $0x1  }
0xf2: {  	v3 =	vsub.f32 $0.0e+00, v3;
	_ =	sdelay $0x1  }
0xf3: {  	v3 =	vmul.f32 $1.442695020e+00, v3;
	_ =	sdelay $0x1  }
0xf4: {  	(erf) = vpow2.f32 v3;
	_ =	sdelay $0x8  }
0xf5: {  	v3 =	vpop (erf)  }
0xf6: {  	v3 =	vadd.f32 $1.000000000e+00, v3;
	_ =	sdelay $0x1  }
0xf7: {  	(erf) = vrcp.f32 v3;
	_ =	sdelay $0x2  }
0xf8: {  	s13 =	simm.s32 $0x20  }
0xf9: {  	v4 =	vmov s13  }
0xfa: {  	s2 =	simm.s32 $0x8420;
	s13 =	simm.s32 $0x30;
	v3 =	vshll.u32 v4, $0x5  }
.LBB2_2:
0xfb: {  	p0 =	sne.s32 s13, $0x1F0;
	v3 =	vor.u32 v0, v3;
	_ =	sdelay $0x1  }
0xfc: {  	v4 =	vor.u32 $0x1, v3  }
0xfd: {  	s2 =	sadd.s32 $0x10, s2;
	v5 =	vpop (erf)  }
0xfe: {  	v6 =	vor.u32 $0x2, v3;
	[tilespmem:s2+$0x0] =	vst v5  }
0xff: {  	v5 =	vld.idx.msk [tilespmem:v3+s17+$0x0], $0xffff  }
0x100: {  	v8 =	vor.u32 $0x3, v3;
	v7 =	vld.idx.msk [tilespmem:v3+s16+$0x0], $0xffff  }
0x101: {  	v9 =	vld.idx.msk [tilespmem:v4+s16+$0x0], $0xffff  }
0x102: {  	v10 =	vor.u32 $0x4, v3;
	v4 =	vld.idx.msk [tilespmem:v4+s17+$0x0], $0xffff  }
0x103: {  	v11 =	vld.idx.msk [tilespmem:v6+s16+$0x0], $0xffff  }
0x104: {  	v12 =	vor.u32 $0x5, v3;
	v6 =	vld.idx.msk [tilespmem:v6+s17+$0x0], $0xffff  }
0x105: {  	v13 =	vld.idx.msk [tilespmem:v8+s16+$0x0], $0xffff  }
0x106: {  	v5 =	vmul.f32 v5, v7;
	v7 =	vld.idx.msk [tilespmem:v8+s17+$0x0], $0xffff;
	v8 =	vor.u32 $0x6, v3  }
0x107: {  	v14 =	vld.idx.msk [tilespmem:v10+s16+$0x0], $0xffff  }
0x108: {  	v5 =	vadd.f32 $0.0e+00, v5;
	v4 =	vmul.f32 v4, v9;
	v9 =	vld.idx.msk [tilespmem:v10+s17+$0x0], $0xffff;
	v10 =	vor.u32 $0x7, v3  }
0x109: {  	v15 =	vld.idx.msk [tilespmem:v12+s16+$0x0], $0xffff  }
0x10a: {  	v4 =	vadd.f32 v4, v5;
	v5 =	vmul.f32 v6, v11;
	v11 =	vor.u32 $0x8, v3;
	v6 =	vld.idx.msk [tilespmem:v12+s17+$0x0], $0xffff  }
0x10b: {  	v12 =	vld.idx.msk [tilespmem:v8+s16+$0x0], $0xffff  }
0x10c: {  	v4 =	vadd.f32 v5, v4;
	v5 =	vmul.f32 v7, v13;
	v7 =	vld.idx.msk [tilespmem:v8+s17+$0x0], $0xffff;
	v8 =	vor.u32 $0x9, v3  }
0x10d: {  	v13 =	vld.idx.msk [tilespmem:v10+s16+$0x0], $0xffff  }
0x10e: {  	v4 =	vadd.f32 v5, v4;
	v5 =	vmul.f32 v9, v14;
	v9 =	vld.idx.msk [tilespmem:v10+s17+$0x0], $0xffff;
	v10 =	vor.u32 $0xA, v3  }
0x10f: {  	v14 =	vld.idx.msk [tilespmem:v11+s16+$0x0], $0xffff  }
0x110: {  	v4 =	vadd.f32 v5, v4;
	v5 =	vmul.f32 v6, v15;
	v6 =	vld.idx.msk [tilespmem:v11+s17+$0x0], $0xffff;
	v11 =	vor.u32 $0xB, v3  }
0x111: {  	v15 =	vld.idx.msk [tilespmem:v8+s16+$0x0], $0xffff  }
0x112: {  	v4 =	vadd.f32 v5, v4;
	v5 =	vmul.f32 v7, v12;
	v7 =	vld.idx.msk [tilespmem:v8+s17+$0x0], $0xffff;
	v8 =	vor.u32 $0xC, v3  }
0x113: {  	v12 =	vld.idx.msk [tilespmem:v10+s16+$0x0], $0xffff  }
0x114: {  	v4 =	vadd.f32 v5, v4;
	v5 =	vmul.f32 v9, v13;
	v9 =	vld.idx.msk [tilespmem:v10+s17+$0x0], $0xffff;
	v10 =	vor.u32 $0xD, v3  }
0x115: {  	v13 =	vld.idx.msk [tilespmem:v11+s16+$0x0], $0xffff  }
0x116: {  	v4 =	vadd.f32 v5, v4;
	v5 =	vmul.f32 v6, v14;
	v6 =	vld.idx.msk [tilespmem:v11+s17+$0x0], $0xffff;
	v11 =	vor.u32 $0xE, v3  }
0x117: {  	v14 =	vld.idx.msk [tilespmem:v8+s16+$0x0], $0xffff  }
0x118: {  	v4 =	vadd.f32 v5, v4;
	v5 =	vmul.f32 v7, v15;
	v7 =	vld.idx.msk [tilespmem:v8+s17+$0x0], $0xffff;
	v8 =	vor.u32 $0xF, v3  }
0x119: {  	v15 =	vld.idx.msk [tilespmem:v10+s16+$0x0], $0xffff  }
0x11a: {  	v4 =	vadd.f32 v5, v4;
	v5 =	vmul.f32 v9, v12;
	v9 =	vld.idx.msk [tilespmem:v10+s17+$0x0], $0xffff;
	v10 =	vor.u32 $0x10, v3  }
0x11b: {  	v12 =	vld.idx.msk [tilespmem:v11+s16+$0x0], $0xffff  }
0x11c: {  	v4 =	vadd.f32 v5, v4;
	v5 =	vmul.f32 v6, v13;
	v6 =	vld.idx.msk [tilespmem:v11+s17+$0x0], $0xffff;
	v11 =	vor.u32 $0x11, v3  }
0x11d: {  	v13 =	vld.idx.msk [tilespmem:v8+s16+$0x0], $0xffff  }
0x11e: {  	v4 =	vadd.f32 v5, v4;
	v5 =	vmul.f32 v7, v14;
	v7 =	vld.idx.msk [tilespmem:v8+s17+$0x0], $0xffff;
	v8 =	vor.u32 $0x12, v3  }
0x11f: {  	v14 =	vld.idx.msk [tilespmem:v10+s16+$0x0], $0xffff  }
0x120: {  	v4 =	vadd.f32 v5, v4;
	v5 =	vmul.f32 v9, v15;
	v9 =	vld.idx.msk [tilespmem:v10+s17+$0x0], $0xffff;
	v10 =	vor.u32 $0x13, v3  }
0x121: {  	v15 =	vld.idx.msk [tilespmem:v11+s16+$0x0], $0xffff  }
0x122: {  	v4 =	vadd.f32 v5, v4;
	v5 =	vmul.f32 v6, v12;
	v6 =	vld.idx.msk [tilespmem:v11+s17+$0x0], $0xffff;
	v11 =	vor.u32 $0x14, v3  }
0x123: {  	v12 =	vld.idx.msk [tilespmem:v8+s16+$0x0], $0xffff  }
0x124: {  	v4 =	vadd.f32 v5, v4;
	v5 =	vmul.f32 v7, v13;
	v7 =	vld.idx.msk [tilespmem:v8+s17+$0x0], $0xffff;
	v8 =	vor.u32 $0x15, v3  }
0x125: {  	v13 =	vld.idx.msk [tilespmem:v10+s16+$0x0], $0xffff  }
0x126: {  	v4 =	vadd.f32 v5, v4;
	v5 =	vmul.f32 v9, v14;
	v9 =	vld.idx.msk [tilespmem:v10+s17+$0x0], $0xffff;
	v10 =	vor.u32 $0x16, v3  }
0x127: {  	v14 =	vld.idx.msk [tilespmem:v11+s16+$0x0], $0xffff  }
0x128: {  	v4 =	vadd.f32 v5, v4;
	v5 =	vmul.f32 v6, v15;
	v6 =	vld.idx.msk [tilespmem:v11+s17+$0x0], $0xffff;
	v11 =	vor.u32 $0x17, v3  }
0x129: {  	v15 =	vld.idx.msk [tilespmem:v8+s16+$0x0], $0xffff  }
0x12a: {  	v4 =	vadd.f32 v5, v4;
	v5 =	vmul.f32 v7, v12;
	v7 =	vld.idx.msk [tilespmem:v8+s17+$0x0], $0xffff;
	v8 =	vor.u32 $0x18, v3  }
0x12b: {  	v12 =	vld.idx.msk [tilespmem:v10+s16+$0x0], $0xffff  }
0x12c: {  	v4 =	vadd.f32 v5, v4;
	v5 =	vmul.f32 v9, v13;
	v9 =	vld.idx.msk [tilespmem:v10+s17+$0x0], $0xffff;
	v10 =	vor.u32 $0x19, v3  }
0x12d: {  	v13 =	vld.idx.msk [tilespmem:v11+s16+$0x0], $0xffff  }
0x12e: {  	v4 =	vadd.f32 v5, v4;
	v5 =	vmul.f32 v6, v14;
	v6 =	vld.idx.msk [tilespmem:v11+s17+$0x0], $0xffff;
	v11 =	vor.u32 $0x1A, v3  }
0x12f: {  	v14 =	vld.idx.msk [tilespmem:v8+s16+$0x0], $0xffff  }
0x130: {  	v4 =	vadd.f32 v5, v4;
	v5 =	vmul.f32 v7, v15;
	v7 =	vld.idx.msk [tilespmem:v8+s17+$0x0], $0xffff;
	v8 =	vor.u32 $0x1B, v3  }
0x131: {  	v15 =	vld.idx.msk [tilespmem:v10+s16+$0x0], $0xffff  }
0x132: {  	v4 =	vadd.f32 v5, v4;
	v5 =	vmul.f32 v9, v12;
	v9 =	vld.idx.msk [tilespmem:v10+s17+$0x0], $0xffff;
	v10 =	vor.u32 $0x1C, v3  }
0x133: {  	v12 =	vld.idx.msk [tilespmem:v11+s16+$0x0], $0xffff  }
0x134: {  	v4 =	vadd.f32 v5, v4;
	v5 =	vmul.f32 v6, v13;
	v6 =	vld.idx.msk [tilespmem:v11+s17+$0x0], $0xffff;
	v11 =	vor.u32 $0x1D, v3  }
0x135: {  	v13 =	vld.idx.msk [tilespmem:v8+s16+$0x0], $0xffff  }
0x136: {  	v4 =	vadd.f32 v5, v4;
	v5 =	vmul.f32 v7, v14;
	v7 =	vld.idx.msk [tilespmem:v8+s17+$0x0], $0xffff;
	v8 =	vor.u32 $0x1E, v3  }
0x137: {  	v14 =	vld.idx.msk [tilespmem:v10+s16+$0x0], $0xffff  }
0x138: {  	v3 =	vor.u32 $0x1F, v3;
	v4 =	vadd.f32 v5, v4;
	v5 =	vmul.f32 v9, v15;
	v9 =	vld.idx.msk [tilespmem:v10+s17+$0x0], $0xffff  }
0x139: {  	v10 =	vld.idx.msk [tilespmem:v11+s16+$0x0], $0xffff  }
0x13a: {  	v4 =	vadd.f32 v5, v4;
	v5 =	vmul.f32 v6, v12;
	v6 =	vld.idx.msk [tilespmem:v11+s17+$0x0], $0xffff  }
0x13b: {  	v11 =	vld.idx.msk [tilespmem:v8+s16+$0x0], $0xffff  }
0x13c: {  	v4 =	vadd.f32 v5, v4;
	v5 =	vmul.f32 v7, v13;
	v7 =	vld.idx.msk [tilespmem:v8+s17+$0x0], $0xffff  }
0x13d: {  	v8 =	vld.idx.msk [tilespmem:v3+s16+$0x0], $0xffff  }
0x13e: {  	v4 =	vadd.f32 v5, v4;
	v5 =	vmul.f32 v9, v14;
	v3 =	vld.idx.msk [tilespmem:v3+s17+$0x0], $0xffff;
	_ =	sdelay $0x1  }
0x13f: {  	v4 =	vadd.f32 v5, v4;
	v5 =	vmul.f32 v6, v10;
	_ =	sdelay $0x1  }
0x140: {  	v4 =	vadd.f32 v5, v4;
	v5 =	vmul.f32 v7, v11;
	_ =	sdelay $0x1  }
0x141: {  	v4 =	vadd.f32 v5, v4;
	v3 =	vmul.f32 v3, v8;
	_ =	sdelay $0x1  }
0x142: {  	v3 =	vadd.f32 v3, v4;
	_ =	sdelay $0x1  }
0x143: {  	v3 =	vsub.f32 $0.0e+00, v3;
	_ =	sdelay $0x1  }
0x144: {  	v3 =	vmul.f32 $1.442695020e+00, v3;
	_ =	sdelay $0x1  }
0x145: {  	(erf) = vpow2.f32 v3;
	_ =	sdelay $0x8  }
0x146: {  	v3 =	vpop (erf)  }
0x147: {  	v3 =	vadd.f32 $1.000000000e+00, v3;
	_ =	sdelay $0x1  }
0x148: {  	(erf) = vrcp.f32 v3;
	_ =	sdelay $0x8  }
0x149: {  	v3 =	vpop (erf)  }
0x14a: {  	v3 =	vmul.f32 v3, v1;
	_ =	sdelay $0x1  }
0x14b: {  	v3 =	vadd.f32 v3, v2;
	_ =	sdelay $0x1  }
0x14c: {  	v3 =	vsub.f32 $0.0e+00, v3;
	_ =	sdelay $0x1  }
0x14d: {  	v3 =	vmul.f32 $1.442695020e+00, v3;
	_ =	sdelay $0x1  }
0x14e: {  	(erf) = vpow2.f32 v3;
	_ =	sdelay $0x8  }
0x14f: {  	v3 =	vpop (erf)  }
0x150: {  	v3 =	vadd.f32 $1.000000000e+00, v3;
	_ =	sdelay $0x1  }
0x151: {  	(erf) = vrcp.f32 v3  }
.Ltmp0:
0x152: {  	(pc) =	sbr.rel @p0 .LBB2_2-.Ltmp0, $3  }
0x153: {  	_ =	sdelay $0x1  }
0x154: {  	v3 =	vmov s13  }
0x155: {  	s13 =	sadd.s32 $0x10, s13;
	v3 =	vshll.u32 v3, $0x5  }
0x156: {  	v3 =	vor.u32 v0, v3;
	_ =	sdelay $0x1  }
0x157: {  	v4 =	vor.u32 $0x1, v3  }
0x158: {  	s2 =	sadd.s32 $0x10, s2;
	v5 =	vpop (erf)  }
0x159: {  	v6 =	vor.u32 $0x2, v3;
	[tilespmem:s2+$0x0] =	vst v5  }
0x15a: {  	v5 =	vld.idx.msk [tilespmem:v3+s17+$0x0], $0xffff  }
0x15b: {  	v8 =	vor.u32 $0x3, v3;
	v7 =	vld.idx.msk [tilespmem:v3+s16+$0x0], $0xffff  }
0x15c: {  	v9 =	vld.idx.msk [tilespmem:v4+s16+$0x0], $0xffff  }
0x15d: {  	v10 =	vor.u32 $0x4, v3;
	v4 =	vld.idx.msk [tilespmem:v4+s17+$0x0], $0xffff  }
0x15e: {  	v11 =	vld.idx.msk [tilespmem:v6+s16+$0x0], $0xffff  }
0x15f: {  	v12 =	vor.u32 $0x5, v3;
	v6 =	vld.idx.msk [tilespmem:v6+s17+$0x0], $0xffff  }
0x160: {  	v13 =	vld.idx.msk [tilespmem:v8+s16+$0x0], $0xffff;
	v5 =	vmul.f32 v5, v7  }
0x161: {  	v49 =	vor.u32 $0x6, v3;
	v48 =	vld.idx.msk [tilespmem:v8+s17+$0x0], $0xffff  }
0x162: {  	v14 =	vld.idx.msk [tilespmem:v10+s16+$0x0], $0xffff;
	v4 =	vmul.f32 v4, v9;
	v5 =	vadd.f32 $0.0e+00, v5  }
0x163: {  	v51 =	vor.u32 $0x7, v3;
	v50 =	vld.idx.msk [tilespmem:v10+s17+$0x0], $0xffff  }
0x164: {  	v15 =	vld.idx.msk [tilespmem:v12+s16+$0x0], $0xffff;
	v52 =	vmul.f32 v6, v11;
	v4 =	vadd.f32 v4, v5  }
0x165: {  	v54 =	vor.u32 $0x8, v3;
	v53 =	vld.idx.msk [tilespmem:v12+s17+$0x0], $0xffff  }
0x166: {  	v55 =	vld.idx.msk [tilespmem:v49+s16+$0x0], $0xffff;
	v56 =	vmul.f32 v48, v13;
	v4 =	vadd.f32 v52, v4  }
0x167: {  	v58 =	vor.u32 $0x9, v3;
	v57 =	vld.idx.msk [tilespmem:v49+s17+$0x0], $0xffff  }
0x168: {  	v59 =	vld.idx.msk [tilespmem:v51+s16+$0x0], $0xffff;
	v60 =	vmul.f32 v50, v14;
	v4 =	vadd.f32 v56, v4  }
0x169: {  	v62 =	vor.u32 $0xA, v3;
	v61 =	vld.idx.msk [tilespmem:v51+s17+$0x0], $0xffff  }
0x16a: {  	v63 =	vld.idx.msk [tilespmem:v54+s16+$0x0], $0xffff;
	v18 =	vmul.f32 v53, v15;
	v4 =	vadd.f32 v60, v4  }
0x16b: {  	v20 =	vor.u32 $0xB, v3;
	v19 =	vld.idx.msk [tilespmem:v54+s17+$0x0], $0xffff  }
0x16c: {  	v21 =	vld.idx.msk [tilespmem:v58+s16+$0x0], $0xffff;
	v22 =	vmul.f32 v57, v55;
	v4 =	vadd.f32 v18, v4  }
0x16d: {  	v24 =	vor.u32 $0xC, v3;
	v23 =	vld.idx.msk [tilespmem:v58+s17+$0x0], $0xffff  }
0x16e: {  	v25 =	vld.idx.msk [tilespmem:v62+s16+$0x0], $0xffff;
	v26 =	vmul.f32 v61, v59;
	v4 =	vadd.f32 v22, v4  }
0x16f: {  	v28 =	vor.u32 $0xD, v3;
	v27 =	vld.idx.msk [tilespmem:v62+s17+$0x0], $0xffff  }
0x170: {  	v29 =	vld.idx.msk [tilespmem:v20+s16+$0x0], $0xffff;
	v30 =	vmul.f32 v19, v63;
	v4 =	vadd.f32 v26, v4  }
0x171: {  	v32 =	vor.u32 $0xE, v3;
	v31 =	vld.idx.msk [tilespmem:v20+s17+$0x0], $0xffff  }
0x172: {  	v33 =	vld.idx.msk [tilespmem:v24+s16+$0x0], $0xffff;
	v34 =	vmul.f32 v23, v21;
	v4 =	vadd.f32 v30, v4  }
0x173: {  	v36 =	vor.u32 $0xF, v3;
	v35 =	vld.idx.msk [tilespmem:v24+s17+$0x0], $0xffff  }
0x174: {  	v37 =	vld.idx.msk [tilespmem:v28+s16+$0x0], $0xffff;
	v38 =	vmul.f32 v27, v25;
	v4 =	vadd.f32 v34, v4  }
0x175: {  	v40 =	vor.u32 $0x10, v3;
	v39 =	vld.idx.msk [tilespmem:v28+s17+$0x0], $0xffff  }
0x176: {  	v41 =	vld.idx.msk [tilespmem:v32+s16+$0x0], $0xffff;
	v42 =	vmul.f32 v31, v29;
	v4 =	vadd.f32 v38, v4  }
0x177: {  	v44 =	vor.u32 $0x11, v3;
	v43 =	vld.idx.msk [tilespmem:v32+s17+$0x0], $0xffff  }
0x178: {  	v45 =	vld.idx.msk [tilespmem:v36+s16+$0x0], $0xffff;
	v46 =	vmul.f32 v35, v33;
	v4 =	vadd.f32 v42, v4  }
0x179: {  	v47 =	vld.idx.msk [tilespmem:v36+s17+$0x0], $0xffff;
	v48 =	vor.u32 $0x12, v3  }
0x17a: {  	v49 =	vld.idx.msk [tilespmem:v40+s16+$0x0], $0xffff;
	v50 =	vmul.f32 v39, v37;
	v4 =	vadd.f32 v46, v4  }
0x17b: {  	v51 =	vld.idx.msk [tilespmem:v40+s17+$0x0], $0xffff;
	v52 =	vor.u32 $0x13, v3  }
0x17c: {  	v53 =	vld.idx.msk [tilespmem:v44+s16+$0x0], $0xffff;
	v54 =	vmul.f32 v43, v41;
	v4 =	vadd.f32 v50, v4  }
0x17d: {  	v55 =	vld.idx.msk [tilespmem:v44+s17+$0x0], $0xffff;
	v56 =	vor.u32 $0x14, v3  }
0x17e: {  	v58 =	vmul.f32 v47, v45;
	v57 =	vld.idx.msk [tilespmem:v48+s16+$0x0], $0xffff;
	v4 =	vadd.f32 v54, v4  }
0x17f: {  	v59 =	vld.idx.msk [tilespmem:v48+s17+$0x0], $0xffff;
	v60 =	vor.u32 $0x15, v3  }
0x180: {  	v62 =	vmul.f32 v51, v49;
	v61 =	vld.idx.msk [tilespmem:v52+s16+$0x0], $0xffff;
	v4 =	vadd.f32 v58, v4  }
0x181: {  	v63 =	vld.idx.msk [tilespmem:v52+s17+$0x0], $0xffff;
	v18 =	vor.u32 $0x16, v3  }
0x182: {  	v20 =	vmul.f32 v55, v53;
	v19 =	vld.idx.msk [tilespmem:v56+s16+$0x0], $0xffff;
	v4 =	vadd.f32 v62, v4  }
0x183: {  	v21 =	vld.idx.msk [tilespmem:v56+s17+$0x0], $0xffff;
	v22 =	vor.u32 $0x17, v3  }
0x184: {  	v24 =	vmul.f32 v59, v57;
	v23 =	vld.idx.msk [tilespmem:v60+s16+$0x0], $0xffff;
	v4 =	vadd.f32 v20, v4  }
0x185: {  	v25 =	vld.idx.msk [tilespmem:v60+s17+$0x0], $0xffff;
	v26 =	vor.u32 $0x18, v3  }
0x186: {  	v28 =	vmul.f32 v63, v61;
	v27 =	vld.idx.msk [tilespmem:v18+s16+$0x0], $0xffff;
	v4 =	vadd.f32 v24, v4  }
0x187: {  	v29 =	vld.idx.msk [tilespmem:v18+s17+$0x0], $0xffff;
	v30 =	vor.u32 $0x19, v3  }
0x188: {  	v32 =	vmul.f32 v21, v19;
	v31 =	vld.idx.msk [tilespmem:v22+s16+$0x0], $0xffff;
	v4 =	vadd.f32 v28, v4  }
0x189: {  	v33 =	vld.idx.msk [tilespmem:v22+s17+$0x0], $0xffff;
	v34 =	vor.u32 $0x1A, v3  }
0x18a: {  	v36 =	vmul.f32 v25, v23;
	v35 =	vld.idx.msk [tilespmem:v26+s16+$0x0], $0xffff;
	v4 =	vadd.f32 v32, v4  }
0x18b: {  	v37 =	vld.idx.msk [tilespmem:v26+s17+$0x0], $0xffff;
	v38 =	vor.u32 $0x1B, v3  }
0x18c: {  	v40 =	vmul.f32 v29, v27;
	v39 =	vld.idx.msk [tilespmem:v30+s16+$0x0], $0xffff;
	v4 =	vadd.f32 v36, v4  }
0x18d: {  	v41 =	vld.idx.msk [tilespmem:v30+s17+$0x0], $0xffff;
	v42 =	vor.u32 $0x1C, v3  }
0x18e: {  	v44 =	vmul.f32 v33, v31;
	v43 =	vld.idx.msk [tilespmem:v34+s16+$0x0], $0xffff;
	v4 =	vadd.f32 v40, v4  }
0x18f: {  	v45 =	vld.idx.msk [tilespmem:v34+s17+$0x0], $0xffff;
	v46 =	vor.u32 $0x1D, v3  }
0x190: {  	v48 =	vmul.f32 v37, v35;
	v47 =	vld.idx.msk [tilespmem:v38+s16+$0x0], $0xffff;
	v4 =	vadd.f32 v44, v4  }
0x191: {  	v49 =	vld.idx.msk [tilespmem:v38+s17+$0x0], $0xffff;
	v50 =	vor.u32 $0x1E, v3  }
0x192: {  	v52 =	vmul.f32 v41, v39;
	v51 =	vld.idx.msk [tilespmem:v42+s16+$0x0], $0xffff;
	v4 =	vadd.f32 v48, v4  }
0x193: {  	v3 =	vor.u32 $0x1F, v3;
	v53 =	vld.idx.msk [tilespmem:v42+s17+$0x0], $0xffff  }
0x194: {  	v55 =	vmul.f32 v45, v43;
	v54 =	vld.idx.msk [tilespmem:v46+s16+$0x0], $0xffff;
	v4 =	vadd.f32 v52, v4  }
0x195: {  	v56 =	vld.idx.msk [tilespmem:v46+s17+$0x0], $0xffff  }
0x196: {  	v58 =	vmul.f32 v49, v47;
	v57 =	vld.idx.msk [tilespmem:v50+s16+$0x0], $0xffff;
	v4 =	vadd.f32 v55, v4  }
0x197: {  	v59 =	vld.idx.msk [tilespmem:v50+s17+$0x0], $0xffff  }
0x198: {  	v60 =	vld.idx.msk [tilespmem:v3+s16+$0x0], $0xffff;
	v61 =	vmul.f32 v53, v51;
	v4 =	vadd.f32 v58, v4  }
0x199: {  	v3 =	vld.idx.msk [tilespmem:v3+s17+$0x0], $0xffff  }
0x19a: {  	v62 =	vmul.f32 v56, v54;
	v4 =	vadd.f32 v61, v4;
	_ =	sdelay $0x1  }
0x19b: {  	v63 =	vmul.f32 v59, v57;
	v4 =	vadd.f32 v62, v4;
	_ =	sdelay $0x1  }
0x19c: {  	v3 =	vmul.f32 v3, v60;
	v4 =	vadd.f32 v63, v4;
	_ =	sdelay $0x1  }
0x19d: {  	v3 =	vadd.f32 v3, v4;
	_ =	sdelay $0x1  }
0x19e: {  	v3 =	vsub.f32 $0.0e+00, v3;
	_ =	sdelay $0x1  }
0x19f: {  	v3 =	vmul.f32 $1.442695020e+00, v3;
	_ =	sdelay $0x1  }
0x1a0: {  	(erf) = vpow2.f32 v3;
	_ =	sdelay $0x8  }
0x1a1: {  	v3 =	vpop (erf)  }
0x1a2: {  	v3 =	vadd.f32 $1.000000000e+00, v3;
	_ =	sdelay $0x1  }
0x1a3: {  	(erf) = vrcp.f32 v3;
	_ =	sdelay $0x8  }
0x1a4: {  	v3 =	vpop (erf)  }
0x1a5: {  	v1 =	vmul.f32 v3, v1;
	_ =	sdelay $0x1  }
0x1a6: {  	v1 =	vadd.f32 v1, v2;
	_ =	sdelay $0x1  }
0x1a7: {  	v1 =	vsub.f32 $0.0e+00, v1;
	_ =	sdelay $0x1  }
0x1a8: {  	v1 =	vmul.f32 $1.442695020e+00, v1;
	_ =	sdelay $0x1  }
0x1a9: {  	(erf) = vpow2.f32 v1;
	_ =	sdelay $0x8  }
0x1aa: {  	v1 =	vpop (erf)  }
0x1ab: {  	v1 =	vadd.f32 $1.000000000e+00, v1;
	_ =	sdelay $0x1  }
0x1ac: {  	(erf) = vrcp.f32 v1;
	_ =	sdelay $0x7  }
0x1ad: {  	s0 =	sadd.s32 $0x1, s0  }
0x1ae: {  	p0 =	sne.s32 s0, s10;
	s2 =	sadd.s32 $0x10, s2;
	v1 =	vpop (erf)  }
.Ltmp1:
0x1af: {  	[tilespmem:s2+$0x0] =	vst v1;
	(pc) =	sbr.rel @p0 .LBB2_1-.Ltmp1, $4  }
0x1b0: {  	[hbm4b:s9+s1] =	stream.linear.scatter [tilespmem:s31], [sflag:$0x2], $0x200, $0x38;
	[tilespmem:$0x8620] =	vst v63  }
0x1b1: {  	_ =	swait.ge [sflag:s11], $0x200  }
0x1b2: {  	[sflag:s11] =	ssyncset.done $0x0  }
0x1b3: {  	[sflag:s11] =	ssyncadd.s32 $0xFFFFFE00  }
0x1b4: {  	_ =	sfence.sel $0x180000  }
0x1b5: {  	[bflag:$0x0] =	sbarrier.arrive $0xFFFF  }
0x1b6: {  	_ =	strace $0x90000047  }
0x1b7: {  	s0 =	stileid.u32;
	[bflag:$0x2] =	sbarrier.arrive $0xFFFF  }
0x1b8: {  	p0 =	sne.s32 s0, $0x0;
	s0 =	rddreg [dreg:$0x4]  }
0x1b9: {  	s0 =	sadd.s32 @!p0 $0x100000, s0  }
0x1ba: {  	[sflag:s0] =	ssyncadd.tile.s32 @!p0 $0x1;
	_ =	shalt  }
.Lfunc_end2:
_tile_overlayer_lowered:
.L_overlay_start_2:
0x1bb: {  	(tag) =	ssettag $0x2  }
0x1bc: {  	s0 =	rddreg [dreg:$0x0];
	s2 =	stileid.u32  }
0x1bd: {  	s1 =	rddreg [dreg:$0x1];
	p0 =	sne.s32 s2, $0x0  }
0x1be: {  	s3 =	rddreg [dreg:$0x2];
	[bflag:$0x3] =	sbarrier.arrive $0xFFFF;
	s2 =	simm.s32 @!p0 $0x1C02  }
0x1bf: {  	[timem:s3], [sflag:s2] =	dma.local @!p0 [hbm:s0], s1  }
0x1c0: {  	s0 =	simm.s32 @!p0 $0x2  }
0x1c1: {  	_ =	swait.ge @!p0 [sflag:s0], s1  }
0x1c2: {  	s1 =	ssub.s32 @!p0 $0x0, s1;
	[sflag:s0] =	ssyncset.done @!p0 $0x0  }
0x1c3: {  	[sflag:s0] =	ssyncadd.s32 @!p0 s1  }
0x1c4: {  	[bflag:$0x3] =	sbarrier.arrive $0xFFFF  }
0x1c5: {  	_ =	shalt  }

</sc_bundles>
